<compile_context>
chip_gen: v7x
topology: tpu7x:2x2x1
jax: 0.10.2.dev20260603
libtpu: 0.0.44.dev20260713+nightly
codegen_flags: <defaults>
</compile_context>

<pallas_src>
import functools

import jax
import jax.numpy as jnp
from jax import lax
from jax.experimental import pallas as pl
from jax.experimental.pallas import tpu as pltpu
from jax.experimental.pallas import tpu_sc as plsc

VOCAB = 100000
EMBED = 128
BATCH = 4096
SEQ = 50

NC = 2
NS = 16
NW = NC * NS
C = BATCH // NW
NBUF = 6
K = 3
NG = SEQ // NBUF

_mesh = plsc.VectorSubcoreMesh(core_axis_name="c", subcore_axis_name="s")


@functools.partial(
    pl.kernel,
    out_type=jax.ShapeDtypeStruct((SEQ, BATCH, EMBED), jnp.float32),
    mesh=_mesh,
    scratch_types=(
        [pltpu.VMEM((SEQ, C), jnp.int32)]
        + [pltpu.VMEM((C, EMBED), jnp.float32) for _ in range(NBUF)]
        + [pltpu.SemaphoreType.DMA for _ in range(2 * NBUF)]
    ),
)
def _gather_kernel(idx_hbm, table_hbm, out_hbm, idx_v, *scr):
    rows = scr[:NBUF]
    gsem = scr[NBUF:2 * NBUF]
    osem = scr[2 * NBUF:]
    wid = lax.axis_index("s") * NC + lax.axis_index("c")
    base = wid * C

    pltpu.sync_copy(idx_hbm.at[pl.ds(0, SEQ), pl.ds(base, C)], idx_v)

    def start_gather(j, b):
        pltpu.async_copy(table_hbm.at[idx_v.at[j]], rows[b], gsem[b])

    def wait_gather(b):
        pltpu.make_async_copy(table_hbm.at[pl.ds(0, C)], rows[b], gsem[b]).wait()

    def start_out(j, b):
        pltpu.async_copy(rows[b], out_hbm.at[j, pl.ds(base, C)], osem[b])

    def wait_out(b):
        pltpu.make_async_copy(rows[b], out_hbm.at[0, pl.ds(base, C)], osem[b]).wait()

    def step(j_pat, j_dyn):
        b = j_pat % NBUF
        if j_pat >= NBUF:
            wait_out(b)
        start_gather(j_dyn, b)
        if j_pat >= K:
            bo = (j_pat - K) % NBUF
            wait_gather(bo)
            start_out(j_dyn - K, bo)

    for j in range(NBUF):
        step(j, j)

    def group(g, carry):
        for b in range(NBUF):
            step(NBUF + b, g * NBUF + b)
        return carry

    lax.fori_loop(1, NG, group, 0)

    for j in range(NG * NBUF, SEQ):
        step(NBUF + (j % NBUF), j)

    for t in range(K):
        i = SEQ - K + t
        wait_gather(i % NBUF)
        start_out(i, i % NBUF)
    for b in range(NBUF):
        wait_out(b)


def kernel(indices, table):
    idx = jnp.transpose(indices.astype(jnp.int32))
    out = _gather_kernel(idx, table)
    return jnp.transpose(out, (1, 0, 2))

# --- scband reference (transcript-rebuilt; emitter-appended) ---
"""Pipeline reference for scband-model-embeddings-42039139893378 (READ-ONLY COPY).

The authoritative reference and input builder live on the scoring server;
editing this copy changes nothing except your own understanding.
"""

import jax, jax.numpy as jnp
import numpy as np

VOCAB = 100000
EMBED = 128
BATCH = 4096
SEQ = 50

def setup_inputs(seed: int = 0) -> dict:
    key = jax.random.key(seed)
    k1, k2 = jax.random.split(key)
    indices = jax.random.randint(k1, (BATCH, SEQ), 0, VOCAB, dtype=jnp.int64 if jax.config.jax_enable_x64 else jnp.int32)
    table = jax.random.normal(k2, (VOCAB, EMBED), dtype=jnp.float32) * 0.02
    return {"indices": indices, "table": table}

def reference(indices, table):
    # Embedding lookup: converts input word indices to their embeddings.
    # Equivalent to nn.Embedding(vocab_size, embed_size)(indices)
    out = jnp.take(table, indices, axis=0)  # [BATCH, SEQ, EMBED]
    return out

if __name__ == "__main__":
    import jax
    _d = setup_inputs()
    print(jax.jit(kernel)(*tuple(_d.values())))

</pallas_src>

<mosaic_0001>
#map = affine_map<(d0, d1) -> (0, 0)>
#map1 = affine_map<(d0, d1) -> (0, 0, 0)>
module attributes {stable_mosaic.version = 14 : i64} {
  func.func @_gather_kernel(%arg0: i32, %arg1: i32, %arg2: memref<50x4096xi32, #tpu.memory_space<hbm>>, %arg3: memref<100000x128xf32, #tpu.memory_space<hbm>>, %arg4: memref<50x4096x128xf32, #tpu.memory_space<hbm>>, %arg5: memref<50x128xi32, #tpu.memory_space<vmem>>, %arg6: memref<128x128xf32, #tpu.memory_space<vmem>>, %arg7: memref<128x128xf32, #tpu.memory_space<vmem>>, %arg8: memref<128x128xf32, #tpu.memory_space<vmem>>, %arg9: memref<128x128xf32, #tpu.memory_space<vmem>>, %arg10: memref<128x128xf32, #tpu.memory_space<vmem>>, %arg11: memref<128x128xf32, #tpu.memory_space<vmem>>, %arg12: memref<!tpu.dma_semaphore, #tpu.memory_space<semaphore_mem>>, %arg13: memref<!tpu.dma_semaphore, #tpu.memory_space<semaphore_mem>>, %arg14: memref<!tpu.dma_semaphore, #tpu.memory_space<semaphore_mem>>, %arg15: memref<!tpu.dma_semaphore, #tpu.memory_space<semaphore_mem>>, %arg16: memref<!tpu.dma_semaphore, #tpu.memory_space<semaphore_mem>>, %arg17: memref<!tpu.dma_semaphore, #tpu.memory_space<semaphore_mem>>, %arg18: memref<!tpu.dma_semaphore, #tpu.memory_space<semaphore_mem>>, %arg19: memref<!tpu.dma_semaphore, #tpu.memory_space<semaphore_mem>>, %arg20: memref<!tpu.dma_semaphore, #tpu.memory_space<semaphore_mem>>, %arg21: memref<!tpu.dma_semaphore, #tpu.memory_space<semaphore_mem>>, %arg22: memref<!tpu.dma_semaphore, #tpu.memory_space<semaphore_mem>>, %arg23: memref<!tpu.dma_semaphore, #tpu.memory_space<semaphore_mem>>) attributes {dimension_semantics = [#tpu.dimension_semantics<core_parallel>, #tpu.dimension_semantics<subcore_parallel>], iteration_bounds = array<i64: 2, 16>, scalar_prefetch = 0 : i64, scratch_operands = 19 : i64, tpu.core_type = #tpu.core_type<sc_vector_subcore>, window_params = [{transform_indices = #map}, {transform_indices = #map}, {transform_indices = #map1}]} {
    %mul3A = arith.constant 2 : i32
    %mul3A_0 = arith.muli %arg1, %mul3A : i32
    %add3A = arith.addi %mul3A_0, %arg0 : i32
    %mul3A_1 = arith.constant 128 : i32
    %mul3A_2 = arith.muli %add3A, %mul3A_1 : i32
    "tpu.region"() ({
      %run_scoped3A = tpu.sem_alloc : memref<!tpu.dma_semaphore, #tpu.memory_space<semaphore_mem>>
      %dma_start3A_222 = arith.constant 0 : i32
      %dma_start3A_223 = tpu.memref_slice %arg2[%dma_start3A_222, %mul3A_2] : memref<50x4096xi32, #tpu.memory_space<hbm>> -> memref<50x128xi32, #tpu.memory_space<hbm>>
      %dma_start3A_224 = arith.constant 0 : i32
      %dma_start3A_225 = tpu.memref_slice %arg2[%dma_start3A_224, %mul3A_2] : memref<50x4096xi32, #tpu.memory_space<hbm>> -> memref<50x128xi32, #tpu.memory_space<hbm>>
      tpu.enqueue_dma source(%dma_start3A_225 : memref<50x128xi32, #tpu.memory_space<hbm>>) target(%arg5 : memref<50x128xi32, #tpu.memory_space<vmem>>) target_semaphore(%run_scoped3A : memref<!tpu.dma_semaphore, #tpu.memory_space<semaphore_mem>>)
      %dma_wait3A_226 = arith.constant 0 : i32
      %dma_wait3A_227 = tpu.memref_slice %arg2[%dma_wait3A_226, %mul3A_2] : memref<50x4096xi32, #tpu.memory_space<hbm>> -> memref<50x128xi32, #tpu.memory_space<hbm>>
      %dma_wait3A_228 = arith.constant 0 : i32
      %dma_wait3A_229 = tpu.memref_slice %arg2[%dma_wait3A_228, %mul3A_2] : memref<50x4096xi32, #tpu.memory_space<hbm>> -> memref<50x128xi32, #tpu.memory_space<hbm>>
      tpu.wait_dma2 semaphore(%run_scoped3A : memref<!tpu.dma_semaphore, #tpu.memory_space<semaphore_mem>>) src(%dma_wait3A_229 : memref<50x128xi32, #tpu.memory_space<hbm>>) dst(%arg5 : memref<50x128xi32, #tpu.memory_space<vmem>>)
      tpu.yield
    }) : () -> ()
    %dma_start3A = arith.constant 0 : i32
    %dma_start3A_3 = arith.constant 0 : i32
    %dma_start3A_4 = tpu.memref_slice %arg5[%dma_start3A, %dma_start3A_3] : memref<50x128xi32, #tpu.memory_space<vmem>> -> memref<1x128xi32, #tpu.memory_space<vmem>>
    %dma_start3A_5 = tpu.memref_squeeze %dma_start3A_4 : memref<1x128xi32, #tpu.memory_space<vmem>> -> memref<128xi32, #tpu.memory_space<vmem>>
    %dma_start3A_6 = arith.constant 0 : i32
    %dma_start3A_7 = arith.constant 0 : i32
    %dma_start3A_8 = tpu.memref_slice %arg3[%dma_start3A_6, %dma_start3A_7] : memref<100000x128xf32, #tpu.memory_space<hbm>> -> memref<100000x128xf32, #tpu.memory_space<hbm>>
    tpu.enqueue_indirect_dma source(%dma_start3A_8 : memref<100000x128xf32, #tpu.memory_space<hbm>>) target(%arg6 : memref<128x128xf32, #tpu.memory_space<vmem>>) offsets(%dma_start3A_5 : memref<128xi32, #tpu.memory_space<vmem>>) semaphore(%arg12 : memref<!tpu.dma_semaphore, #tpu.memory_space<semaphore_mem>>)
    %dma_start3A_9 = arith.constant 1 : i32
    %dma_start3A_10 = arith.constant 0 : i32
    %dma_start3A_11 = tpu.memref_slice %arg5[%dma_start3A_9, %dma_start3A_10] : memref<50x128xi32, #tpu.memory_space<vmem>> -> memref<1x128xi32, #tpu.memory_space<vmem>>
    %dma_start3A_12 = tpu.memref_squeeze %dma_start3A_11 : memref<1x128xi32, #tpu.memory_space<vmem>> -> memref<128xi32, #tpu.memory_space<vmem>>
    %dma_start3A_13 = arith.constant 0 : i32
    %dma_start3A_14 = arith.constant 0 : i32
    %dma_start3A_15 = tpu.memref_slice %arg3[%dma_start3A_13, %dma_start3A_14] : memref<100000x128xf32, #tpu.memory_space<hbm>> -> memref<100000x128xf32, #tpu.memory_space<hbm>>
    tpu.enqueue_indirect_dma source(%dma_start3A_15 : memref<100000x128xf32, #tpu.memory_space<hbm>>) target(%arg7 : memref<128x128xf32, #tpu.memory_space<vmem>>) offsets(%dma_start3A_12 : memref<128xi32, #tpu.memory_space<vmem>>) semaphore(%arg13 : memref<!tpu.dma_semaphore, #tpu.memory_space<semaphore_mem>>)
    %dma_start3A_16 = arith.constant 2 : i32
    %dma_start3A_17 = arith.constant 0 : i32
    %dma_start3A_18 = tpu.memref_slice %arg5[%dma_start3A_16, %dma_start3A_17] : memref<50x128xi32, #tpu.memory_space<vmem>> -> memref<1x128xi32, #tpu.memory_space<vmem>>
    %dma_start3A_19 = tpu.memref_squeeze %dma_start3A_18 : memref<1x128xi32, #tpu.memory_space<vmem>> -> memref<128xi32, #tpu.memory_space<vmem>>
    %dma_start3A_20 = arith.constant 0 : i32
    %dma_start3A_21 = arith.constant 0 : i32
    %dma_start3A_22 = tpu.memref_slice %arg3[%dma_start3A_20, %dma_start3A_21] : memref<100000x128xf32, #tpu.memory_space<hbm>> -> memref<100000x128xf32, #tpu.memory_space<hbm>>
    tpu.enqueue_indirect_dma source(%dma_start3A_22 : memref<100000x128xf32, #tpu.memory_space<hbm>>) target(%arg8 : memref<128x128xf32, #tpu.memory_space<vmem>>) offsets(%dma_start3A_19 : memref<128xi32, #tpu.memory_space<vmem>>) semaphore(%arg14 : memref<!tpu.dma_semaphore, #tpu.memory_space<semaphore_mem>>)
    %dma_start3A_23 = arith.constant 3 : i32
    %dma_start3A_24 = arith.constant 0 : i32
    %dma_start3A_25 = tpu.memref_slice %arg5[%dma_start3A_23, %dma_start3A_24] : memref<50x128xi32, #tpu.memory_space<vmem>> -> memref<1x128xi32, #tpu.memory_space<vmem>>
    %dma_start3A_26 = tpu.memref_squeeze %dma_start3A_25 : memref<1x128xi32, #tpu.memory_space<vmem>> -> memref<128xi32, #tpu.memory_space<vmem>>
    %dma_start3A_27 = arith.constant 0 : i32
    %dma_start3A_28 = arith.constant 0 : i32
    %dma_start3A_29 = tpu.memref_slice %arg3[%dma_start3A_27, %dma_start3A_28] : memref<100000x128xf32, #tpu.memory_space<hbm>> -> memref<100000x128xf32, #tpu.memory_space<hbm>>
    tpu.enqueue_indirect_dma source(%dma_start3A_29 : memref<100000x128xf32, #tpu.memory_space<hbm>>) target(%arg9 : memref<128x128xf32, #tpu.memory_space<vmem>>) offsets(%dma_start3A_26 : memref<128xi32, #tpu.memory_space<vmem>>) semaphore(%arg15 : memref<!tpu.dma_semaphore, #tpu.memory_space<semaphore_mem>>)
    %dma_wait3A = arith.constant 0 : i32
    %dma_wait3A_30 = arith.constant 0 : i32
    %dma_wait3A_31 = tpu.memref_slice %arg3[%dma_wait3A, %dma_wait3A_30] : memref<100000x128xf32, #tpu.memory_space<hbm>> -> memref<128x128xf32, #tpu.memory_space<hbm>>
    %dma_wait3A_32 = arith.constant 0 : i32
    %dma_wait3A_33 = arith.constant 0 : i32
    %dma_wait3A_34 = tpu.memref_slice %arg3[%dma_wait3A_32, %dma_wait3A_33] : memref<100000x128xf32, #tpu.memory_space<hbm>> -> memref<128x128xf32, #tpu.memory_space<hbm>>
    tpu.wait_dma2 semaphore(%arg12 : memref<!tpu.dma_semaphore, #tpu.memory_space<semaphore_mem>>) src(%dma_wait3A_34 : memref<128x128xf32, #tpu.memory_space<hbm>>) dst(%arg6 : memref<128x128xf32, #tpu.memory_space<vmem>>)
    %dma_start3A_35 = arith.constant 0 : i32
    %dma_start3A_36 = arith.constant 0 : i32
    %dma_start3A_37 = tpu.memref_slice %arg4[%dma_start3A_35, %mul3A_2, %dma_start3A_36] : memref<50x4096x128xf32, #tpu.memory_space<hbm>> -> memref<1x128x128xf32, #tpu.memory_space<hbm>>
    %dma_start3A_38 = tpu.memref_squeeze %dma_start3A_37 : memref<1x128x128xf32, #tpu.memory_space<hbm>> -> memref<128x128xf32, #tpu.memory_space<hbm>>
    %dma_start3A_39 = arith.constant 0 : i32
    %dma_start3A_40 = tpu.memref_slice %arg4[%dma_start3A_35, %mul3A_2, %dma_start3A_39] : memref<50x4096x128xf32, #tpu.memory_space<hbm>> -> memref<1x128x128xf32, #tpu.memory_space<hbm>>
    %dma_start3A_41 = tpu.memref_squeeze %dma_start3A_40 : memref<1x128x128xf32, #tpu.memory_space<hbm>> -> memref<128x128xf32, #tpu.memory_space<hbm>>
    tpu.enqueue_dma source(%arg6 : memref<128x128xf32, #tpu.memory_space<vmem>>) target(%dma_start3A_41 : memref<128x128xf32, #tpu.memory_space<hbm>>) target_semaphore(%arg18 : memref<!tpu.dma_semaphore, #tpu.memory_space<semaphore_mem>>)
    %dma_start3A_42 = arith.constant 4 : i32
    %dma_start3A_43 = arith.constant 0 : i32
    %dma_start3A_44 = tpu.memref_slice %arg5[%dma_start3A_42, %dma_start3A_43] : memref<50x128xi32, #tpu.memory_space<vmem>> -> memref<1x128xi32, #tpu.memory_space<vmem>>
    %dma_start3A_45 = tpu.memref_squeeze %dma_start3A_44 : memref<1x128xi32, #tpu.memory_space<vmem>> -> memref<128xi32, #tpu.memory_space<vmem>>
    %dma_start3A_46 = arith.constant 0 : i32
    %dma_start3A_47 = arith.constant 0 : i32
    %dma_start3A_48 = tpu.memref_slice %arg3[%dma_start3A_46, %dma_start3A_47] : memref<100000x128xf32, #tpu.memory_space<hbm>> -> memref<100000x128xf32, #tpu.memory_space<hbm>>
    tpu.enqueue_indirect_dma source(%dma_start3A_48 : memref<100000x128xf32, #tpu.memory_space<hbm>>) target(%arg10 : memref<128x128xf32, #tpu.memory_space<vmem>>) offsets(%dma_start3A_45 : memref<128xi32, #tpu.memory_space<vmem>>) semaphore(%arg16 : memref<!tpu.dma_semaphore, #tpu.memory_space<semaphore_mem>>)
    %dma_wait3A_49 = arith.constant 0 : i32
    %dma_wait3A_50 = arith.constant 0 : i32
    %dma_wait3A_51 = tpu.memref_slice %arg3[%dma_wait3A_49, %dma_wait3A_50] : memref<100000x128xf32, #tpu.memory_space<hbm>> -> memref<128x128xf32, #tpu.memory_space<hbm>>
    %dma_wait3A_52 = arith.constant 0 : i32
    %dma_wait3A_53 = arith.constant 0 : i32
    %dma_wait3A_54 = tpu.memref_slice %arg3[%dma_wait3A_52, %dma_wait3A_53] : memref<100000x128xf32, #tpu.memory_space<hbm>> -> memref<128x128xf32, #tpu.memory_space<hbm>>
    tpu.wait_dma2 semaphore(%arg13 : memref<!tpu.dma_semaphore, #tpu.memory_space<semaphore_mem>>) src(%dma_wait3A_54 : memref<128x128xf32, #tpu.memory_space<hbm>>) dst(%arg7 : memref<128x128xf32, #tpu.memory_space<vmem>>)
    %dma_start3A_55 = arith.constant 1 : i32
    %dma_start3A_56 = arith.constant 0 : i32
    %dma_start3A_57 = tpu.memref_slice %arg4[%dma_start3A_55, %mul3A_2, %dma_start3A_56] : memref<50x4096x128xf32, #tpu.memory_space<hbm>> -> memref<1x128x128xf32, #tpu.memory_space<hbm>>
    %dma_start3A_58 = tpu.memref_squeeze %dma_start3A_57 : memref<1x128x128xf32, #tpu.memory_space<hbm>> -> memref<128x128xf32, #tpu.memory_space<hbm>>
    %dma_start3A_59 = arith.constant 0 : i32
    %dma_start3A_60 = tpu.memref_slice %arg4[%dma_start3A_55, %mul3A_2, %dma_start3A_59] : memref<50x4096x128xf32, #tpu.memory_space<hbm>> -> memref<1x128x128xf32, #tpu.memory_space<hbm>>
    %dma_start3A_61 = tpu.memref_squeeze %dma_start3A_60 : memref<1x128x128xf32, #tpu.memory_space<hbm>> -> memref<128x128xf32, #tpu.memory_space<hbm>>
    tpu.enqueue_dma source(%arg7 : memref<128x128xf32, #tpu.memory_space<vmem>>) target(%dma_start3A_61 : memref<128x128xf32, #tpu.memory_space<hbm>>) target_semaphore(%arg19 : memref<!tpu.dma_semaphore, #tpu.memory_space<semaphore_mem>>)
    %dma_start3A_62 = arith.constant 5 : i32
    %dma_start3A_63 = arith.constant 0 : i32
    %dma_start3A_64 = tpu.memref_slice %arg5[%dma_start3A_62, %dma_start3A_63] : memref<50x128xi32, #tpu.memory_space<vmem>> -> memref<1x128xi32, #tpu.memory_space<vmem>>
    %dma_start3A_65 = tpu.memref_squeeze %dma_start3A_64 : memref<1x128xi32, #tpu.memory_space<vmem>> -> memref<128xi32, #tpu.memory_space<vmem>>
    %dma_start3A_66 = arith.constant 0 : i32
    %dma_start3A_67 = arith.constant 0 : i32
    %dma_start3A_68 = tpu.memref_slice %arg3[%dma_start3A_66, %dma_start3A_67] : memref<100000x128xf32, #tpu.memory_space<hbm>> -> memref<100000x128xf32, #tpu.memory_space<hbm>>
    tpu.enqueue_indirect_dma source(%dma_start3A_68 : memref<100000x128xf32, #tpu.memory_space<hbm>>) target(%arg11 : memref<128x128xf32, #tpu.memory_space<vmem>>) offsets(%dma_start3A_65 : memref<128xi32, #tpu.memory_space<vmem>>) semaphore(%arg17 : memref<!tpu.dma_semaphore, #tpu.memory_space<semaphore_mem>>)
    %dma_wait3A_69 = arith.constant 0 : i32
    %dma_wait3A_70 = arith.constant 0 : i32
    %dma_wait3A_71 = tpu.memref_slice %arg3[%dma_wait3A_69, %dma_wait3A_70] : memref<100000x128xf32, #tpu.memory_space<hbm>> -> memref<128x128xf32, #tpu.memory_space<hbm>>
    %dma_wait3A_72 = arith.constant 0 : i32
    %dma_wait3A_73 = arith.constant 0 : i32
    %dma_wait3A_74 = tpu.memref_slice %arg3[%dma_wait3A_72, %dma_wait3A_73] : memref<100000x128xf32, #tpu.memory_space<hbm>> -> memref<128x128xf32, #tpu.memory_space<hbm>>
    tpu.wait_dma2 semaphore(%arg14 : memref<!tpu.dma_semaphore, #tpu.memory_space<semaphore_mem>>) src(%dma_wait3A_74 : memref<128x128xf32, #tpu.memory_space<hbm>>) dst(%arg8 : memref<128x128xf32, #tpu.memory_space<vmem>>)
    %dma_start3A_75 = arith.constant 2 : i32
    %dma_start3A_76 = arith.constant 0 : i32
    %dma_start3A_77 = tpu.memref_slice %arg4[%dma_start3A_75, %mul3A_2, %dma_start3A_76] : memref<50x4096x128xf32, #tpu.memory_space<hbm>> -> memref<1x128x128xf32, #tpu.memory_space<hbm>>
    %dma_start3A_78 = tpu.memref_squeeze %dma_start3A_77 : memref<1x128x128xf32, #tpu.memory_space<hbm>> -> memref<128x128xf32, #tpu.memory_space<hbm>>
    %dma_start3A_79 = arith.constant 0 : i32
    %dma_start3A_80 = tpu.memref_slice %arg4[%dma_start3A_75, %mul3A_2, %dma_start3A_79] : memref<50x4096x128xf32, #tpu.memory_space<hbm>> -> memref<1x128x128xf32, #tpu.memory_space<hbm>>
    %dma_start3A_81 = tpu.memref_squeeze %dma_start3A_80 : memref<1x128x128xf32, #tpu.memory_space<hbm>> -> memref<128x128xf32, #tpu.memory_space<hbm>>
    tpu.enqueue_dma source(%arg8 : memref<128x128xf32, #tpu.memory_space<vmem>>) target(%dma_start3A_81 : memref<128x128xf32, #tpu.memory_space<hbm>>) target_semaphore(%arg20 : memref<!tpu.dma_semaphore, #tpu.memory_space<semaphore_mem>>)
    %scan3A = arith.constant 0 : i32
    %scan3A_82 = arith.constant 1 : i32
    %scan3A_83 = arith.constant 7 : i32
    %scan3A_84 = arith.addi %scan3A_82, %scan3A_83 : i32
    %scan3A_85 = arith.constant 1 : i32
    scf.for %scan3A_222 = %scan3A_82 to %scan3A_84 step %scan3A_85  : i32 {
      %mul3A_223 = arith.constant 6 : i32
      %mul3A_224 = arith.muli %scan3A_222, %mul3A_223 : i32
      %add3A_225 = arith.constant 0 : i32
      %add3A_226 = arith.addi %mul3A_224, %add3A_225 : i32
      %dma_wait3A_227 = arith.constant 0 : i32
      %dma_wait3A_228 = arith.constant 0 : i32
      %dma_wait3A_229 = tpu.memref_slice %arg4[%dma_wait3A_227, %mul3A_2, %dma_wait3A_228] : memref<50x4096x128xf32, #tpu.memory_space<hbm>> -> memref<1x128x128xf32, #tpu.memory_space<hbm>>
      %dma_wait3A_230 = tpu.memref_squeeze %dma_wait3A_229 : memref<1x128x128xf32, #tpu.memory_space<hbm>> -> memref<128x128xf32, #tpu.memory_space<hbm>>
      %dma_wait3A_231 = arith.constant 0 : i32
      %dma_wait3A_232 = tpu.memref_slice %arg4[%dma_wait3A_227, %mul3A_2, %dma_wait3A_231] : memref<50x4096x128xf32, #tpu.memory_space<hbm>> -> memref<1x128x128xf32, #tpu.memory_space<hbm>>
      %dma_wait3A_233 = tpu.memref_squeeze %dma_wait3A_232 : memref<1x128x128xf32, #tpu.memory_space<hbm>> -> memref<128x128xf32, #tpu.memory_space<hbm>>
      tpu.wait_dma2 semaphore(%arg18 : memref<!tpu.dma_semaphore, #tpu.memory_space<semaphore_mem>>) src(%arg6 : memref<128x128xf32, #tpu.memory_space<vmem>>) dst(%dma_wait3A_233 : memref<128x128xf32, #tpu.memory_space<hbm>>)
      %dma_start3A_234 = arith.constant 0 : i32
      %dma_start3A_235 = tpu.memref_slice %arg5[%add3A_226, %dma_start3A_234] : memref<50x128xi32, #tpu.memory_space<vmem>> -> memref<1x128xi32, #tpu.memory_space<vmem>>
      %dma_start3A_236 = tpu.memref_squeeze %dma_start3A_235 : memref<1x128xi32, #tpu.memory_space<vmem>> -> memref<128xi32, #tpu.memory_space<vmem>>
      %dma_start3A_237 = arith.constant 0 : i32
      %dma_start3A_238 = arith.constant 0 : i32
      %dma_start3A_239 = tpu.memref_slice %arg3[%dma_start3A_237, %dma_start3A_238] : memref<100000x128xf32, #tpu.memory_space<hbm>> -> memref<100000x128xf32, #tpu.memory_space<hbm>>
      tpu.enqueue_indirect_dma source(%dma_start3A_239 : memref<100000x128xf32, #tpu.memory_space<hbm>>) target(%arg6 : memref<128x128xf32, #tpu.memory_space<vmem>>) offsets(%dma_start3A_236 : memref<128xi32, #tpu.memory_space<vmem>>) semaphore(%arg12 : memref<!tpu.dma_semaphore, #tpu.memory_space<semaphore_mem>>)
      %dma_wait3A_240 = arith.constant 0 : i32
      %dma_wait3A_241 = arith.constant 0 : i32
      %dma_wait3A_242 = tpu.memref_slice %arg3[%dma_wait3A_240, %dma_wait3A_241] : memref<100000x128xf32, #tpu.memory_space<hbm>> -> memref<128x128xf32, #tpu.memory_space<hbm>>
      %dma_wait3A_243 = arith.constant 0 : i32
      %dma_wait3A_244 = arith.constant 0 : i32
      %dma_wait3A_245 = tpu.memref_slice %arg3[%dma_wait3A_243, %dma_wait3A_244] : memref<100000x128xf32, #tpu.memory_space<hbm>> -> memref<128x128xf32, #tpu.memory_space<hbm>>
      tpu.wait_dma2 semaphore(%arg15 : memref<!tpu.dma_semaphore, #tpu.memory_space<semaphore_mem>>) src(%dma_wait3A_245 : memref<128x128xf32, #tpu.memory_space<hbm>>) dst(%arg9 : memref<128x128xf32, #tpu.memory_space<vmem>>)
      %sub3A = arith.constant 3 : i32
      %sub3A_246 = arith.subi %add3A_226, %sub3A : i32
      %dma_start3A_247 = arith.constant 0 : i32
      %dma_start3A_248 = tpu.memref_slice %arg4[%sub3A_246, %mul3A_2, %dma_start3A_247] : memref<50x4096x128xf32, #tpu.memory_space<hbm>> -> memref<1x128x128xf32, #tpu.memory_space<hbm>>
      %dma_start3A_249 = tpu.memref_squeeze %dma_start3A_248 : memref<1x128x128xf32, #tpu.memory_space<hbm>> -> memref<128x128xf32, #tpu.memory_space<hbm>>
      %dma_start3A_250 = arith.constant 0 : i32
      %dma_start3A_251 = tpu.memref_slice %arg4[%sub3A_246, %mul3A_2, %dma_start3A_250] : memref<50x4096x128xf32, #tpu.memory_space<hbm>> -> memref<1x128x128xf32, #tpu.memory_space<hbm>>
      %dma_start3A_252 = tpu.memref_squeeze %dma_start3A_251 : memref<1x128x128xf32, #tpu.memory_space<hbm>> -> memref<128x128xf32, #tpu.memory_space<hbm>>
      tpu.enqueue_dma source(%arg9 : memref<128x128xf32, #tpu.memory_space<vmem>>) target(%dma_start3A_252 : memref<128x128xf32, #tpu.memory_space<hbm>>) target_semaphore(%arg21 : memref<!tpu.dma_semaphore, #tpu.memory_space<semaphore_mem>>)
      %mul3A_253 = arith.constant 6 : i32
      %mul3A_254 = arith.muli %scan3A_222, %mul3A_253 : i32
      %add3A_255 = arith.constant 1 : i32
      %add3A_256 = arith.addi %mul3A_254, %add3A_255 : i32
      %dma_wait3A_257 = arith.constant 0 : i32
      %dma_wait3A_258 = arith.constant 0 : i32
      %dma_wait3A_259 = tpu.memref_slice %arg4[%dma_wait3A_257, %mul3A_2, %dma_wait3A_258] : memref<50x4096x128xf32, #tpu.memory_space<hbm>> -> memref<1x128x128xf32, #tpu.memory_space<hbm>>
      %dma_wait3A_260 = tpu.memref_squeeze %dma_wait3A_259 : memref<1x128x128xf32, #tpu.memory_space<hbm>> -> memref<128x128xf32, #tpu.memory_space<hbm>>
      %dma_wait3A_261 = arith.constant 0 : i32
      %dma_wait3A_262 = tpu.memref_slice %arg4[%dma_wait3A_257, %mul3A_2, %dma_wait3A_261] : memref<50x4096x128xf32, #tpu.memory_space<hbm>> -> memref<1x128x128xf32, #tpu.memory_space<hbm>>
      %dma_wait3A_263 = tpu.memref_squeeze %dma_wait3A_262 : memref<1x128x128xf32, #tpu.memory_space<hbm>> -> memref<128x128xf32, #tpu.memory_space<hbm>>
      tpu.wait_dma2 semaphore(%arg19 : memref<!tpu.dma_semaphore, #tpu.memory_space<semaphore_mem>>) src(%arg7 : memref<128x128xf32, #tpu.memory_space<vmem>>) dst(%dma_wait3A_263 : memref<128x128xf32, #tpu.memory_space<hbm>>)
      %dma_start3A_264 = arith.constant 0 : i32
      %dma_start3A_265 = tpu.memref_slice %arg5[%add3A_256, %dma_start3A_264] : memref<50x128xi32, #tpu.memory_space<vmem>> -> memref<1x128xi32, #tpu.memory_space<vmem>>
      %dma_start3A_266 = tpu.memref_squeeze %dma_start3A_265 : memref<1x128xi32, #tpu.memory_space<vmem>> -> memref<128xi32, #tpu.memory_space<vmem>>
      %dma_start3A_267 = arith.constant 0 : i32
      %dma_start3A_268 = arith.constant 0 : i32
      %dma_start3A_269 = tpu.memref_slice %arg3[%dma_start3A_267, %dma_start3A_268] : memref<100000x128xf32, #tpu.memory_space<hbm>> -> memref<100000x128xf32, #tpu.memory_space<hbm>>
      tpu.enqueue_indirect_dma source(%dma_start3A_269 : memref<100000x128xf32, #tpu.memory_space<hbm>>) target(%arg7 : memref<128x128xf32, #tpu.memory_space<vmem>>) offsets(%dma_start3A_266 : memref<128xi32, #tpu.memory_space<vmem>>) semaphore(%arg13 : memref<!tpu.dma_semaphore, #tpu.memory_space<semaphore_mem>>)
      %dma_wait3A_270 = arith.constant 0 : i32
      %dma_wait3A_271 = arith.constant 0 : i32
      %dma_wait3A_272 = tpu.memref_slice %arg3[%dma_wait3A_270, %dma_wait3A_271] : memref<100000x128xf32, #tpu.memory_space<hbm>> -> memref<128x128xf32, #tpu.memory_space<hbm>>
      %dma_wait3A_273 = arith.constant 0 : i32
      %dma_wait3A_274 = arith.constant 0 : i32
      %dma_wait3A_275 = tpu.memref_slice %arg3[%dma_wait3A_273, %dma_wait3A_274] : memref<100000x128xf32, #tpu.memory_space<hbm>> -> memref<128x128xf32, #tpu.memory_space<hbm>>
      tpu.wait_dma2 semaphore(%arg16 : memref<!tpu.dma_semaphore, #tpu.memory_space<semaphore_mem>>) src(%dma_wait3A_275 : memref<128x128xf32, #tpu.memory_space<hbm>>) dst(%arg10 : memref<128x128xf32, #tpu.memory_space<vmem>>)
      %sub3A_276 = arith.constant 3 : i32
      %sub3A_277 = arith.subi %add3A_256, %sub3A_276 : i32
      %dma_start3A_278 = arith.constant 0 : i32
      %dma_start3A_279 = tpu.memref_slice %arg4[%sub3A_277, %mul3A_2, %dma_start3A_278] : memref<50x4096x128xf32, #tpu.memory_space<hbm>> -> memref<1x128x128xf32, #tpu.memory_space<hbm>>
      %dma_start3A_280 = tpu.memref_squeeze %dma_start3A_279 : memref<1x128x128xf32, #tpu.memory_space<hbm>> -> memref<128x128xf32, #tpu.memory_space<hbm>>
      %dma_start3A_281 = arith.constant 0 : i32
      %dma_start3A_282 = tpu.memref_slice %arg4[%sub3A_277, %mul3A_2, %dma_start3A_281] : memref<50x4096x128xf32, #tpu.memory_space<hbm>> -> memref<1x128x128xf32, #tpu.memory_space<hbm>>
      %dma_start3A_283 = tpu.memref_squeeze %dma_start3A_282 : memref<1x128x128xf32, #tpu.memory_space<hbm>> -> memref<128x128xf32, #tpu.memory_space<hbm>>
      tpu.enqueue_dma source(%arg10 : memref<128x128xf32, #tpu.memory_space<vmem>>) target(%dma_start3A_283 : memref<128x128xf32, #tpu.memory_space<hbm>>) target_semaphore(%arg22 : memref<!tpu.dma_semaphore, #tpu.memory_space<semaphore_mem>>)
      %mul3A_284 = arith.constant 6 : i32
      %mul3A_285 = arith.muli %scan3A_222, %mul3A_284 : i32
      %add3A_286 = arith.constant 2 : i32
      %add3A_287 = arith.addi %mul3A_285, %add3A_286 : i32
      %dma_wait3A_288 = arith.constant 0 : i32
      %dma_wait3A_289 = arith.constant 0 : i32
      %dma_wait3A_290 = tpu.memref_slice %arg4[%dma_wait3A_288, %mul3A_2, %dma_wait3A_289] : memref<50x4096x128xf32, #tpu.memory_space<hbm>> -> memref<1x128x128xf32, #tpu.memory_space<hbm>>
      %dma_wait3A_291 = tpu.memref_squeeze %dma_wait3A_290 : memref<1x128x128xf32, #tpu.memory_space<hbm>> -> memref<128x128xf32, #tpu.memory_space<hbm>>
      %dma_wait3A_292 = arith.constant 0 : i32
      %dma_wait3A_293 = tpu.memref_slice %arg4[%dma_wait3A_288, %mul3A_2, %dma_wait3A_292] : memref<50x4096x128xf32, #tpu.memory_space<hbm>> -> memref<1x128x128xf32, #tpu.memory_space<hbm>>
      %dma_wait3A_294 = tpu.memref_squeeze %dma_wait3A_293 : memref<1x128x128xf32, #tpu.memory_space<hbm>> -> memref<128x128xf32, #tpu.memory_space<hbm>>
      tpu.wait_dma2 semaphore(%arg20 : memref<!tpu.dma_semaphore, #tpu.memory_space<semaphore_mem>>) src(%arg8 : memref<128x128xf32, #tpu.memory_space<vmem>>) dst(%dma_wait3A_294 : memref<128x128xf32, #tpu.memory_space<hbm>>)
      %dma_start3A_295 = arith.constant 0 : i32
      %dma_start3A_296 = tpu.memref_slice %arg5[%add3A_287, %dma_start3A_295] : memref<50x128xi32, #tpu.memory_space<vmem>> -> memref<1x128xi32, #tpu.memory_space<vmem>>
      %dma_start3A_297 = tpu.memref_squeeze %dma_start3A_296 : memref<1x128xi32, #tpu.memory_space<vmem>> -> memref<128xi32, #tpu.memory_space<vmem>>
      %dma_start3A_298 = arith.constant 0 : i32
      %dma_start3A_299 = arith.constant 0 : i32
      %dma_start3A_300 = tpu.memref_slice %arg3[%dma_start3A_298, %dma_start3A_299] : memref<100000x128xf32, #tpu.memory_space<hbm>> -> memref<100000x128xf32, #tpu.memory_space<hbm>>
      tpu.enqueue_indirect_dma source(%dma_start3A_300 : memref<100000x128xf32, #tpu.memory_space<hbm>>) target(%arg8 : memref<128x128xf32, #tpu.memory_space<vmem>>) offsets(%dma_start3A_297 : memref<128xi32, #tpu.memory_space<vmem>>) semaphore(%arg14 : memref<!tpu.dma_semaphore, #tpu.memory_space<semaphore_mem>>)
      %dma_wait3A_301 = arith.constant 0 : i32
      %dma_wait3A_302 = arith.constant 0 : i32
      %dma_wait3A_303 = tpu.memref_slice %arg3[%dma_wait3A_301, %dma_wait3A_302] : memref<100000x128xf32, #tpu.memory_space<hbm>> -> memref<128x128xf32, #tpu.memory_space<hbm>>
      %dma_wait3A_304 = arith.constant 0 : i32
      %dma_wait3A_305 = arith.constant 0 : i32
      %dma_wait3A_306 = tpu.memref_slice %arg3[%dma_wait3A_304, %dma_wait3A_305] : memref<100000x128xf32, #tpu.memory_space<hbm>> -> memref<128x128xf32, #tpu.memory_space<hbm>>
      tpu.wait_dma2 semaphore(%arg17 : memref<!tpu.dma_semaphore, #tpu.memory_space<semaphore_mem>>) src(%dma_wait3A_306 : memref<128x128xf32, #tpu.memory_space<hbm>>) dst(%arg11 : memref<128x128xf32, #tpu.memory_space<vmem>>)
      %sub3A_307 = arith.constant 3 : i32
      %sub3A_308 = arith.subi %add3A_287, %sub3A_307 : i32
      %dma_start3A_309 = arith.constant 0 : i32
      %dma_start3A_310 = tpu.memref_slice %arg4[%sub3A_308, %mul3A_2, %dma_start3A_309] : memref<50x4096x128xf32, #tpu.memory_space<hbm>> -> memref<1x128x128xf32, #tpu.memory_space<hbm>>
      %dma_start3A_311 = tpu.memref_squeeze %dma_start3A_310 : memref<1x128x128xf32, #tpu.memory_space<hbm>> -> memref<128x128xf32, #tpu.memory_space<hbm>>
      %dma_start3A_312 = arith.constant 0 : i32
      %dma_start3A_313 = tpu.memref_slice %arg4[%sub3A_308, %mul3A_2, %dma_start3A_312] : memref<50x4096x128xf32, #tpu.memory_space<hbm>> -> memref<1x128x128xf32, #tpu.memory_space<hbm>>
      %dma_start3A_314 = tpu.memref_squeeze %dma_start3A_313 : memref<1x128x128xf32, #tpu.memory_space<hbm>> -> memref<128x128xf32, #tpu.memory_space<hbm>>
      tpu.enqueue_dma source(%arg11 : memref<128x128xf32, #tpu.memory_space<vmem>>) target(%dma_start3A_314 : memref<128x128xf32, #tpu.memory_space<hbm>>) target_semaphore(%arg23 : memref<!tpu.dma_semaphore, #tpu.memory_space<semaphore_mem>>)
      %mul3A_315 = arith.constant 6 : i32
      %mul3A_316 = arith.muli %scan3A_222, %mul3A_315 : i32
      %add3A_317 = arith.constant 3 : i32
      %add3A_318 = arith.addi %mul3A_316, %add3A_317 : i32
      %dma_wait3A_319 = arith.constant 0 : i32
      %dma_wait3A_320 = arith.constant 0 : i32
      %dma_wait3A_321 = tpu.memref_slice %arg4[%dma_wait3A_319, %mul3A_2, %dma_wait3A_320] : memref<50x4096x128xf32, #tpu.memory_space<hbm>> -> memref<1x128x128xf32, #tpu.memory_space<hbm>>
      %dma_wait3A_322 = tpu.memref_squeeze %dma_wait3A_321 : memref<1x128x128xf32, #tpu.memory_space<hbm>> -> memref<128x128xf32, #tpu.memory_space<hbm>>
      %dma_wait3A_323 = arith.constant 0 : i32
      %dma_wait3A_324 = tpu.memref_slice %arg4[%dma_wait3A_319, %mul3A_2, %dma_wait3A_323] : memref<50x4096x128xf32, #tpu.memory_space<hbm>> -> memref<1x128x128xf32, #tpu.memory_space<hbm>>
      %dma_wait3A_325 = tpu.memref_squeeze %dma_wait3A_324 : memref<1x128x128xf32, #tpu.memory_space<hbm>> -> memref<128x128xf32, #tpu.memory_space<hbm>>
      tpu.wait_dma2 semaphore(%arg21 : memref<!tpu.dma_semaphore, #tpu.memory_space<semaphore_mem>>) src(%arg9 : memref<128x128xf32, #tpu.memory_space<vmem>>) dst(%dma_wait3A_325 : memref<128x128xf32, #tpu.memory_space<hbm>>)
      %dma_start3A_326 = arith.constant 0 : i32
      %dma_start3A_327 = tpu.memref_slice %arg5[%add3A_318, %dma_start3A_326] : memref<50x128xi32, #tpu.memory_space<vmem>> -> memref<1x128xi32, #tpu.memory_space<vmem>>
      %dma_start3A_328 = tpu.memref_squeeze %dma_start3A_327 : memref<1x128xi32, #tpu.memory_space<vmem>> -> memref<128xi32, #tpu.memory_space<vmem>>
      %dma_start3A_329 = arith.constant 0 : i32
      %dma_start3A_330 = arith.constant 0 : i32
      %dma_start3A_331 = tpu.memref_slice %arg3[%dma_start3A_329, %dma_start3A_330] : memref<100000x128xf32, #tpu.memory_space<hbm>> -> memref<100000x128xf32, #tpu.memory_space<hbm>>
      tpu.enqueue_indirect_dma source(%dma_start3A_331 : memref<100000x128xf32, #tpu.memory_space<hbm>>) target(%arg9 : memref<128x128xf32, #tpu.memory_space<vmem>>) offsets(%dma_start3A_328 : memref<128xi32, #tpu.memory_space<vmem>>) semaphore(%arg15 : memref<!tpu.dma_semaphore, #tpu.memory_space<semaphore_mem>>)
      %dma_wait3A_332 = arith.constant 0 : i32
      %dma_wait3A_333 = arith.constant 0 : i32
      %dma_wait3A_334 = tpu.memref_slice %arg3[%dma_wait3A_332, %dma_wait3A_333] : memref<100000x128xf32, #tpu.memory_space<hbm>> -> memref<128x128xf32, #tpu.memory_space<hbm>>
      %dma_wait3A_335 = arith.constant 0 : i32
      %dma_wait3A_336 = arith.constant 0 : i32
      %dma_wait3A_337 = tpu.memref_slice %arg3[%dma_wait3A_335, %dma_wait3A_336] : memref<100000x128xf32, #tpu.memory_space<hbm>> -> memref<128x128xf32, #tpu.memory_space<hbm>>
      tpu.wait_dma2 semaphore(%arg12 : memref<!tpu.dma_semaphore, #tpu.memory_space<semaphore_mem>>) src(%dma_wait3A_337 : memref<128x128xf32, #tpu.memory_space<hbm>>) dst(%arg6 : memref<128x128xf32, #tpu.memory_space<vmem>>)
      %sub3A_338 = arith.constant 3 : i32
      %sub3A_339 = arith.subi %add3A_318, %sub3A_338 : i32
      %dma_start3A_340 = arith.constant 0 : i32
      %dma_start3A_341 = tpu.memref_slice %arg4[%sub3A_339, %mul3A_2, %dma_start3A_340] : memref<50x4096x128xf32, #tpu.memory_space<hbm>> -> memref<1x128x128xf32, #tpu.memory_space<hbm>>
      %dma_start3A_342 = tpu.memref_squeeze %dma_start3A_341 : memref<1x128x128xf32, #tpu.memory_space<hbm>> -> memref<128x128xf32, #tpu.memory_space<hbm>>
      %dma_start3A_343 = arith.constant 0 : i32
      %dma_start3A_344 = tpu.memref_slice %arg4[%sub3A_339, %mul3A_2, %dma_start3A_343] : memref<50x4096x128xf32, #tpu.memory_space<hbm>> -> memref<1x128x128xf32, #tpu.memory_space<hbm>>
      %dma_start3A_345 = tpu.memref_squeeze %dma_start3A_344 : memref<1x128x128xf32, #tpu.memory_space<hbm>> -> memref<128x128xf32, #tpu.memory_space<hbm>>
      tpu.enqueue_dma source(%arg6 : memref<128x128xf32, #tpu.memory_space<vmem>>) target(%dma_start3A_345 : memref<128x128xf32, #tpu.memory_space<hbm>>) target_semaphore(%arg18 : memref<!tpu.dma_semaphore, #tpu.memory_space<semaphore_mem>>)
      %mul3A_346 = arith.constant 6 : i32
      %mul3A_347 = arith.muli %scan3A_222, %mul3A_346 : i32
      %add3A_348 = arith.constant 4 : i32
      %add3A_349 = arith.addi %mul3A_347, %add3A_348 : i32
      %dma_wait3A_350 = arith.constant 0 : i32
      %dma_wait3A_351 = arith.constant 0 : i32
      %dma_wait3A_352 = tpu.memref_slice %arg4[%dma_wait3A_350, %mul3A_2, %dma_wait3A_351] : memref<50x4096x128xf32, #tpu.memory_space<hbm>> -> memref<1x128x128xf32, #tpu.memory_space<hbm>>
      %dma_wait3A_353 = tpu.memref_squeeze %dma_wait3A_352 : memref<1x128x128xf32, #tpu.memory_space<hbm>> -> memref<128x128xf32, #tpu.memory_space<hbm>>
      %dma_wait3A_354 = arith.constant 0 : i32
      %dma_wait3A_355 = tpu.memref_slice %arg4[%dma_wait3A_350, %mul3A_2, %dma_wait3A_354] : memref<50x4096x128xf32, #tpu.memory_space<hbm>> -> memref<1x128x128xf32, #tpu.memory_space<hbm>>
      %dma_wait3A_356 = tpu.memref_squeeze %dma_wait3A_355 : memref<1x128x128xf32, #tpu.memory_space<hbm>> -> memref<128x128xf32, #tpu.memory_space<hbm>>
      tpu.wait_dma2 semaphore(%arg22 : memref<!tpu.dma_semaphore, #tpu.memory_space<semaphore_mem>>) src(%arg10 : memref<128x128xf32, #tpu.memory_space<vmem>>) dst(%dma_wait3A_356 : memref<128x128xf32, #tpu.memory_space<hbm>>)
      %dma_start3A_357 = arith.constant 0 : i32
      %dma_start3A_358 = tpu.memref_slice %arg5[%add3A_349, %dma_start3A_357] : memref<50x128xi32, #tpu.memory_space<vmem>> -> memref<1x128xi32, #tpu.memory_space<vmem>>
      %dma_start3A_359 = tpu.memref_squeeze %dma_start3A_358 : memref<1x128xi32, #tpu.memory_space<vmem>> -> memref<128xi32, #tpu.memory_space<vmem>>
      %dma_start3A_360 = arith.constant 0 : i32
      %dma_start3A_361 = arith.constant 0 : i32
      %dma_start3A_362 = tpu.memref_slice %arg3[%dma_start3A_360, %dma_start3A_361] : memref<100000x128xf32, #tpu.memory_space<hbm>> -> memref<100000x128xf32, #tpu.memory_space<hbm>>
      tpu.enqueue_indirect_dma source(%dma_start3A_362 : memref<100000x128xf32, #tpu.memory_space<hbm>>) target(%arg10 : memref<128x128xf32, #tpu.memory_space<vmem>>) offsets(%dma_start3A_359 : memref<128xi32, #tpu.memory_space<vmem>>) semaphore(%arg16 : memref<!tpu.dma_semaphore, #tpu.memory_space<semaphore_mem>>)
      %dma_wait3A_363 = arith.constant 0 : i32
      %dma_wait3A_364 = arith.constant 0 : i32
      %dma_wait3A_365 = tpu.memref_slice %arg3[%dma_wait3A_363, %dma_wait3A_364] : memref<100000x128xf32, #tpu.memory_space<hbm>> -> memref<128x128xf32, #tpu.memory_space<hbm>>
      %dma_wait3A_366 = arith.constant 0 : i32
      %dma_wait3A_367 = arith.constant 0 : i32
      %dma_wait3A_368 = tpu.memref_slice %arg3[%dma_wait3A_366, %dma_wait3A_367] : memref<100000x128xf32, #tpu.memory_space<hbm>> -> memref<128x128xf32, #tpu.memory_space<hbm>>
      tpu.wait_dma2 semaphore(%arg13 : memref<!tpu.dma_semaphore, #tpu.memory_space<semaphore_mem>>) src(%dma_wait3A_368 : memref<128x128xf32, #tpu.memory_space<hbm>>) dst(%arg7 : memref<128x128xf32, #tpu.memory_space<vmem>>)
      %sub3A_369 = arith.constant 3 : i32
      %sub3A_370 = arith.subi %add3A_349, %sub3A_369 : i32
      %dma_start3A_371 = arith.constant 0 : i32
      %dma_start3A_372 = tpu.memref_slice %arg4[%sub3A_370, %mul3A_2, %dma_start3A_371] : memref<50x4096x128xf32, #tpu.memory_space<hbm>> -> memref<1x128x128xf32, #tpu.memory_space<hbm>>
      %dma_start3A_373 = tpu.memref_squeeze %dma_start3A_372 : memref<1x128x128xf32, #tpu.memory_space<hbm>> -> memref<128x128xf32, #tpu.memory_space<hbm>>
      %dma_start3A_374 = arith.constant 0 : i32
      %dma_start3A_375 = tpu.memref_slice %arg4[%sub3A_370, %mul3A_2, %dma_start3A_374] : memref<50x4096x128xf32, #tpu.memory_space<hbm>> -> memref<1x128x128xf32, #tpu.memory_space<hbm>>
      %dma_start3A_376 = tpu.memref_squeeze %dma_start3A_375 : memref<1x128x128xf32, #tpu.memory_space<hbm>> -> memref<128x128xf32, #tpu.memory_space<hbm>>
      tpu.enqueue_dma source(%arg7 : memref<128x128xf32, #tpu.memory_space<vmem>>) target(%dma_start3A_376 : memref<128x128xf32, #tpu.memory_space<hbm>>) target_semaphore(%arg19 : memref<!tpu.dma_semaphore, #tpu.memory_space<semaphore_mem>>)
      %mul3A_377 = arith.constant 6 : i32
      %mul3A_378 = arith.muli %scan3A_222, %mul3A_377 : i32
      %add3A_379 = arith.constant 5 : i32
      %add3A_380 = arith.addi %mul3A_378, %add3A_379 : i32
      %dma_wait3A_381 = arith.constant 0 : i32
      %dma_wait3A_382 = arith.constant 0 : i32
      %dma_wait3A_383 = tpu.memref_slice %arg4[%dma_wait3A_381, %mul3A_2, %dma_wait3A_382] : memref<50x4096x128xf32, #tpu.memory_space<hbm>> -> memref<1x128x128xf32, #tpu.memory_space<hbm>>
      %dma_wait3A_384 = tpu.memref_squeeze %dma_wait3A_383 : memref<1x128x128xf32, #tpu.memory_space<hbm>> -> memref<128x128xf32, #tpu.memory_space<hbm>>
      %dma_wait3A_385 = arith.constant 0 : i32
      %dma_wait3A_386 = tpu.memref_slice %arg4[%dma_wait3A_381, %mul3A_2, %dma_wait3A_385] : memref<50x4096x128xf32, #tpu.memory_space<hbm>> -> memref<1x128x128xf32, #tpu.memory_space<hbm>>
      %dma_wait3A_387 = tpu.memref_squeeze %dma_wait3A_386 : memref<1x128x128xf32, #tpu.memory_space<hbm>> -> memref<128x128xf32, #tpu.memory_space<hbm>>
      tpu.wait_dma2 semaphore(%arg23 : memref<!tpu.dma_semaphore, #tpu.memory_space<semaphore_mem>>) src(%arg11 : memref<128x128xf32, #tpu.memory_space<vmem>>) dst(%dma_wait3A_387 : memref<128x128xf32, #tpu.memory_space<hbm>>)
      %dma_start3A_388 = arith.constant 0 : i32
      %dma_start3A_389 = tpu.memref_slice %arg5[%add3A_380, %dma_start3A_388] : memref<50x128xi32, #tpu.memory_space<vmem>> -> memref<1x128xi32, #tpu.memory_space<vmem>>
      %dma_start3A_390 = tpu.memref_squeeze %dma_start3A_389 : memref<1x128xi32, #tpu.memory_space<vmem>> -> memref<128xi32, #tpu.memory_space<vmem>>
      %dma_start3A_391 = arith.constant 0 : i32
      %dma_start3A_392 = arith.constant 0 : i32
      %dma_start3A_393 = tpu.memref_slice %arg3[%dma_start3A_391, %dma_start3A_392] : memref<100000x128xf32, #tpu.memory_space<hbm>> -> memref<100000x128xf32, #tpu.memory_space<hbm>>
      tpu.enqueue_indirect_dma source(%dma_start3A_393 : memref<100000x128xf32, #tpu.memory_space<hbm>>) target(%arg11 : memref<128x128xf32, #tpu.memory_space<vmem>>) offsets(%dma_start3A_390 : memref<128xi32, #tpu.memory_space<vmem>>) semaphore(%arg17 : memref<!tpu.dma_semaphore, #tpu.memory_space<semaphore_mem>>)
      %dma_wait3A_394 = arith.constant 0 : i32
      %dma_wait3A_395 = arith.constant 0 : i32
      %dma_wait3A_396 = tpu.memref_slice %arg3[%dma_wait3A_394, %dma_wait3A_395] : memref<100000x128xf32, #tpu.memory_space<hbm>> -> memref<128x128xf32, #tpu.memory_space<hbm>>
      %dma_wait3A_397 = arith.constant 0 : i32
      %dma_wait3A_398 = arith.constant 0 : i32
      %dma_wait3A_399 = tpu.memref_slice %arg3[%dma_wait3A_397, %dma_wait3A_398] : memref<100000x128xf32, #tpu.memory_space<hbm>> -> memref<128x128xf32, #tpu.memory_space<hbm>>
      tpu.wait_dma2 semaphore(%arg14 : memref<!tpu.dma_semaphore, #tpu.memory_space<semaphore_mem>>) src(%dma_wait3A_399 : memref<128x128xf32, #tpu.memory_space<hbm>>) dst(%arg8 : memref<128x128xf32, #tpu.memory_space<vmem>>)
      %sub3A_400 = arith.constant 3 : i32
      %sub3A_401 = arith.subi %add3A_380, %sub3A_400 : i32
      %dma_start3A_402 = arith.constant 0 : i32
      %dma_start3A_403 = tpu.memref_slice %arg4[%sub3A_401, %mul3A_2, %dma_start3A_402] : memref<50x4096x128xf32, #tpu.memory_space<hbm>> -> memref<1x128x128xf32, #tpu.memory_space<hbm>>
      %dma_start3A_404 = tpu.memref_squeeze %dma_start3A_403 : memref<1x128x128xf32, #tpu.memory_space<hbm>> -> memref<128x128xf32, #tpu.memory_space<hbm>>
      %dma_start3A_405 = arith.constant 0 : i32
      %dma_start3A_406 = tpu.memref_slice %arg4[%sub3A_401, %mul3A_2, %dma_start3A_405] : memref<50x4096x128xf32, #tpu.memory_space<hbm>> -> memref<1x128x128xf32, #tpu.memory_space<hbm>>
      %dma_start3A_407 = tpu.memref_squeeze %dma_start3A_406 : memref<1x128x128xf32, #tpu.memory_space<hbm>> -> memref<128x128xf32, #tpu.memory_space<hbm>>
      tpu.enqueue_dma source(%arg8 : memref<128x128xf32, #tpu.memory_space<vmem>>) target(%dma_start3A_407 : memref<128x128xf32, #tpu.memory_space<hbm>>) target_semaphore(%arg20 : memref<!tpu.dma_semaphore, #tpu.memory_space<semaphore_mem>>)
    }
    %scan3A_86 = arith.constant 7 : i32
    %dma_wait3A_87 = arith.constant 0 : i32
    %dma_wait3A_88 = arith.constant 0 : i32
    %dma_wait3A_89 = tpu.memref_slice %arg4[%dma_wait3A_87, %mul3A_2, %dma_wait3A_88] : memref<50x4096x128xf32, #tpu.memory_space<hbm>> -> memref<1x128x128xf32, #tpu.memory_space<hbm>>
    %dma_wait3A_90 = tpu.memref_squeeze %dma_wait3A_89 : memref<1x128x128xf32, #tpu.memory_space<hbm>> -> memref<128x128xf32, #tpu.memory_space<hbm>>
    %dma_wait3A_91 = arith.constant 0 : i32
    %dma_wait3A_92 = tpu.memref_slice %arg4[%dma_wait3A_87, %mul3A_2, %dma_wait3A_91] : memref<50x4096x128xf32, #tpu.memory_space<hbm>> -> memref<1x128x128xf32, #tpu.memory_space<hbm>>
    %dma_wait3A_93 = tpu.memref_squeeze %dma_wait3A_92 : memref<1x128x128xf32, #tpu.memory_space<hbm>> -> memref<128x128xf32, #tpu.memory_space<hbm>>
    tpu.wait_dma2 semaphore(%arg18 : memref<!tpu.dma_semaphore, #tpu.memory_space<semaphore_mem>>) src(%arg6 : memref<128x128xf32, #tpu.memory_space<vmem>>) dst(%dma_wait3A_93 : memref<128x128xf32, #tpu.memory_space<hbm>>)
    %dma_start3A_94 = arith.constant 48 : i32
    %dma_start3A_95 = arith.constant 0 : i32
    %dma_start3A_96 = tpu.memref_slice %arg5[%dma_start3A_94, %dma_start3A_95] : memref<50x128xi32, #tpu.memory_space<vmem>> -> memref<1x128xi32, #tpu.memory_space<vmem>>
    %dma_start3A_97 = tpu.memref_squeeze %dma_start3A_96 : memref<1x128xi32, #tpu.memory_space<vmem>> -> memref<128xi32, #tpu.memory_space<vmem>>
    %dma_start3A_98 = arith.constant 0 : i32
    %dma_start3A_99 = arith.constant 0 : i32
    %dma_start3A_100 = tpu.memref_slice %arg3[%dma_start3A_98, %dma_start3A_99] : memref<100000x128xf32, #tpu.memory_space<hbm>> -> memref<100000x128xf32, #tpu.memory_space<hbm>>
    tpu.enqueue_indirect_dma source(%dma_start3A_100 : memref<100000x128xf32, #tpu.memory_space<hbm>>) target(%arg6 : memref<128x128xf32, #tpu.memory_space<vmem>>) offsets(%dma_start3A_97 : memref<128xi32, #tpu.memory_space<vmem>>) semaphore(%arg12 : memref<!tpu.dma_semaphore, #tpu.memory_space<semaphore_mem>>)
    %dma_wait3A_101 = arith.constant 0 : i32
    %dma_wait3A_102 = arith.constant 0 : i32
    %dma_wait3A_103 = tpu.memref_slice %arg3[%dma_wait3A_101, %dma_wait3A_102] : memref<100000x128xf32, #tpu.memory_space<hbm>> -> memref<128x128xf32, #tpu.memory_space<hbm>>
    %dma_wait3A_104 = arith.constant 0 : i32
    %dma_wait3A_105 = arith.constant 0 : i32
    %dma_wait3A_106 = tpu.memref_slice %arg3[%dma_wait3A_104, %dma_wait3A_105] : memref<100000x128xf32, #tpu.memory_space<hbm>> -> memref<128x128xf32, #tpu.memory_space<hbm>>
    tpu.wait_dma2 semaphore(%arg15 : memref<!tpu.dma_semaphore, #tpu.memory_space<semaphore_mem>>) src(%dma_wait3A_106 : memref<128x128xf32, #tpu.memory_space<hbm>>) dst(%arg9 : memref<128x128xf32, #tpu.memory_space<vmem>>)
    %dma_start3A_107 = arith.constant 45 : i32
    %dma_start3A_108 = arith.constant 0 : i32
    %dma_start3A_109 = tpu.memref_slice %arg4[%dma_start3A_107, %mul3A_2, %dma_start3A_108] : memref<50x4096x128xf32, #tpu.memory_space<hbm>> -> memref<1x128x128xf32, #tpu.memory_space<hbm>>
    %dma_start3A_110 = tpu.memref_squeeze %dma_start3A_109 : memref<1x128x128xf32, #tpu.memory_space<hbm>> -> memref<128x128xf32, #tpu.memory_space<hbm>>
    %dma_start3A_111 = arith.constant 0 : i32
    %dma_start3A_112 = tpu.memref_slice %arg4[%dma_start3A_107, %mul3A_2, %dma_start3A_111] : memref<50x4096x128xf32, #tpu.memory_space<hbm>> -> memref<1x128x128xf32, #tpu.memory_space<hbm>>
    %dma_start3A_113 = tpu.memref_squeeze %dma_start3A_112 : memref<1x128x128xf32, #tpu.memory_space<hbm>> -> memref<128x128xf32, #tpu.memory_space<hbm>>
    tpu.enqueue_dma source(%arg9 : memref<128x128xf32, #tpu.memory_space<vmem>>) target(%dma_start3A_113 : memref<128x128xf32, #tpu.memory_space<hbm>>) target_semaphore(%arg21 : memref<!tpu.dma_semaphore, #tpu.memory_space<semaphore_mem>>)
    %dma_wait3A_114 = arith.constant 0 : i32
    %dma_wait3A_115 = arith.constant 0 : i32
    %dma_wait3A_116 = tpu.memref_slice %arg4[%dma_wait3A_114, %mul3A_2, %dma_wait3A_115] : memref<50x4096x128xf32, #tpu.memory_space<hbm>> -> memref<1x128x128xf32, #tpu.memory_space<hbm>>
    %dma_wait3A_117 = tpu.memref_squeeze %dma_wait3A_116 : memref<1x128x128xf32, #tpu.memory_space<hbm>> -> memref<128x128xf32, #tpu.memory_space<hbm>>
    %dma_wait3A_118 = arith.constant 0 : i32
    %dma_wait3A_119 = tpu.memref_slice %arg4[%dma_wait3A_114, %mul3A_2, %dma_wait3A_118] : memref<50x4096x128xf32, #tpu.memory_space<hbm>> -> memref<1x128x128xf32, #tpu.memory_space<hbm>>
    %dma_wait3A_120 = tpu.memref_squeeze %dma_wait3A_119 : memref<1x128x128xf32, #tpu.memory_space<hbm>> -> memref<128x128xf32, #tpu.memory_space<hbm>>
    tpu.wait_dma2 semaphore(%arg19 : memref<!tpu.dma_semaphore, #tpu.memory_space<semaphore_mem>>) src(%arg7 : memref<128x128xf32, #tpu.memory_space<vmem>>) dst(%dma_wait3A_120 : memref<128x128xf32, #tpu.memory_space<hbm>>)
    %dma_start3A_121 = arith.constant 49 : i32
    %dma_start3A_122 = arith.constant 0 : i32
    %dma_start3A_123 = tpu.memref_slice %arg5[%dma_start3A_121, %dma_start3A_122] : memref<50x128xi32, #tpu.memory_space<vmem>> -> memref<1x128xi32, #tpu.memory_space<vmem>>
    %dma_start3A_124 = tpu.memref_squeeze %dma_start3A_123 : memref<1x128xi32, #tpu.memory_space<vmem>> -> memref<128xi32, #tpu.memory_space<vmem>>
    %dma_start3A_125 = arith.constant 0 : i32
    %dma_start3A_126 = arith.constant 0 : i32
    %dma_start3A_127 = tpu.memref_slice %arg3[%dma_start3A_125, %dma_start3A_126] : memref<100000x128xf32, #tpu.memory_space<hbm>> -> memref<100000x128xf32, #tpu.memory_space<hbm>>
    tpu.enqueue_indirect_dma source(%dma_start3A_127 : memref<100000x128xf32, #tpu.memory_space<hbm>>) target(%arg7 : memref<128x128xf32, #tpu.memory_space<vmem>>) offsets(%dma_start3A_124 : memref<128xi32, #tpu.memory_space<vmem>>) semaphore(%arg13 : memref<!tpu.dma_semaphore, #tpu.memory_space<semaphore_mem>>)
    %dma_wait3A_128 = arith.constant 0 : i32
    %dma_wait3A_129 = arith.constant 0 : i32
    %dma_wait3A_130 = tpu.memref_slice %arg3[%dma_wait3A_128, %dma_wait3A_129] : memref<100000x128xf32, #tpu.memory_space<hbm>> -> memref<128x128xf32, #tpu.memory_space<hbm>>
    %dma_wait3A_131 = arith.constant 0 : i32
    %dma_wait3A_132 = arith.constant 0 : i32
    %dma_wait3A_133 = tpu.memref_slice %arg3[%dma_wait3A_131, %dma_wait3A_132] : memref<100000x128xf32, #tpu.memory_space<hbm>> -> memref<128x128xf32, #tpu.memory_space<hbm>>
    tpu.wait_dma2 semaphore(%arg16 : memref<!tpu.dma_semaphore, #tpu.memory_space<semaphore_mem>>) src(%dma_wait3A_133 : memref<128x128xf32, #tpu.memory_space<hbm>>) dst(%arg10 : memref<128x128xf32, #tpu.memory_space<vmem>>)
    %dma_start3A_134 = arith.constant 46 : i32
    %dma_start3A_135 = arith.constant 0 : i32
    %dma_start3A_136 = tpu.memref_slice %arg4[%dma_start3A_134, %mul3A_2, %dma_start3A_135] : memref<50x4096x128xf32, #tpu.memory_space<hbm>> -> memref<1x128x128xf32, #tpu.memory_space<hbm>>
    %dma_start3A_137 = tpu.memref_squeeze %dma_start3A_136 : memref<1x128x128xf32, #tpu.memory_space<hbm>> -> memref<128x128xf32, #tpu.memory_space<hbm>>
    %dma_start3A_138 = arith.constant 0 : i32
    %dma_start3A_139 = tpu.memref_slice %arg4[%dma_start3A_134, %mul3A_2, %dma_start3A_138] : memref<50x4096x128xf32, #tpu.memory_space<hbm>> -> memref<1x128x128xf32, #tpu.memory_space<hbm>>
    %dma_start3A_140 = tpu.memref_squeeze %dma_start3A_139 : memref<1x128x128xf32, #tpu.memory_space<hbm>> -> memref<128x128xf32, #tpu.memory_space<hbm>>
    tpu.enqueue_dma source(%arg10 : memref<128x128xf32, #tpu.memory_space<vmem>>) target(%dma_start3A_140 : memref<128x128xf32, #tpu.memory_space<hbm>>) target_semaphore(%arg22 : memref<!tpu.dma_semaphore, #tpu.memory_space<semaphore_mem>>)
    %dma_wait3A_141 = arith.constant 0 : i32
    %dma_wait3A_142 = arith.constant 0 : i32
    %dma_wait3A_143 = tpu.memref_slice %arg3[%dma_wait3A_141, %dma_wait3A_142] : memref<100000x128xf32, #tpu.memory_space<hbm>> -> memref<128x128xf32, #tpu.memory_space<hbm>>
    %dma_wait3A_144 = arith.constant 0 : i32
    %dma_wait3A_145 = arith.constant 0 : i32
    %dma_wait3A_146 = tpu.memref_slice %arg3[%dma_wait3A_144, %dma_wait3A_145] : memref<100000x128xf32, #tpu.memory_space<hbm>> -> memref<128x128xf32, #tpu.memory_space<hbm>>
    tpu.wait_dma2 semaphore(%arg17 : memref<!tpu.dma_semaphore, #tpu.memory_space<semaphore_mem>>) src(%dma_wait3A_146 : memref<128x128xf32, #tpu.memory_space<hbm>>) dst(%arg11 : memref<128x128xf32, #tpu.memory_space<vmem>>)
    %dma_start3A_147 = arith.constant 47 : i32
    %dma_start3A_148 = arith.constant 0 : i32
    %dma_start3A_149 = tpu.memref_slice %arg4[%dma_start3A_147, %mul3A_2, %dma_start3A_148] : memref<50x4096x128xf32, #tpu.memory_space<hbm>> -> memref<1x128x128xf32, #tpu.memory_space<hbm>>
    %dma_start3A_150 = tpu.memref_squeeze %dma_start3A_149 : memref<1x128x128xf32, #tpu.memory_space<hbm>> -> memref<128x128xf32, #tpu.memory_space<hbm>>
    %dma_start3A_151 = arith.constant 0 : i32
    %dma_start3A_152 = tpu.memref_slice %arg4[%dma_start3A_147, %mul3A_2, %dma_start3A_151] : memref<50x4096x128xf32, #tpu.memory_space<hbm>> -> memref<1x128x128xf32, #tpu.memory_space<hbm>>
    %dma_start3A_153 = tpu.memref_squeeze %dma_start3A_152 : memref<1x128x128xf32, #tpu.memory_space<hbm>> -> memref<128x128xf32, #tpu.memory_space<hbm>>
    tpu.enqueue_dma source(%arg11 : memref<128x128xf32, #tpu.memory_space<vmem>>) target(%dma_start3A_153 : memref<128x128xf32, #tpu.memory_space<hbm>>) target_semaphore(%arg23 : memref<!tpu.dma_semaphore, #tpu.memory_space<semaphore_mem>>)
    %dma_wait3A_154 = arith.constant 0 : i32
    %dma_wait3A_155 = arith.constant 0 : i32
    %dma_wait3A_156 = tpu.memref_slice %arg3[%dma_wait3A_154, %dma_wait3A_155] : memref<100000x128xf32, #tpu.memory_space<hbm>> -> memref<128x128xf32, #tpu.memory_space<hbm>>
    %dma_wait3A_157 = arith.constant 0 : i32
    %dma_wait3A_158 = arith.constant 0 : i32
    %dma_wait3A_159 = tpu.memref_slice %arg3[%dma_wait3A_157, %dma_wait3A_158] : memref<100000x128xf32, #tpu.memory_space<hbm>> -> memref<128x128xf32, #tpu.memory_space<hbm>>
    tpu.wait_dma2 semaphore(%arg12 : memref<!tpu.dma_semaphore, #tpu.memory_space<semaphore_mem>>) src(%dma_wait3A_159 : memref<128x128xf32, #tpu.memory_space<hbm>>) dst(%arg6 : memref<128x128xf32, #tpu.memory_space<vmem>>)
    %dma_start3A_160 = arith.constant 48 : i32
    %dma_start3A_161 = arith.constant 0 : i32
    %dma_start3A_162 = tpu.memref_slice %arg4[%dma_start3A_160, %mul3A_2, %dma_start3A_161] : memref<50x4096x128xf32, #tpu.memory_space<hbm>> -> memref<1x128x128xf32, #tpu.memory_space<hbm>>
    %dma_start3A_163 = tpu.memref_squeeze %dma_start3A_162 : memref<1x128x128xf32, #tpu.memory_space<hbm>> -> memref<128x128xf32, #tpu.memory_space<hbm>>
    %dma_start3A_164 = arith.constant 0 : i32
    %dma_start3A_165 = tpu.memref_slice %arg4[%dma_start3A_160, %mul3A_2, %dma_start3A_164] : memref<50x4096x128xf32, #tpu.memory_space<hbm>> -> memref<1x128x128xf32, #tpu.memory_space<hbm>>
    %dma_start3A_166 = tpu.memref_squeeze %dma_start3A_165 : memref<1x128x128xf32, #tpu.memory_space<hbm>> -> memref<128x128xf32, #tpu.memory_space<hbm>>
    tpu.enqueue_dma source(%arg6 : memref<128x128xf32, #tpu.memory_space<vmem>>) target(%dma_start3A_166 : memref<128x128xf32, #tpu.memory_space<hbm>>) target_semaphore(%arg18 : memref<!tpu.dma_semaphore, #tpu.memory_space<semaphore_mem>>)
    %dma_wait3A_167 = arith.constant 0 : i32
    %dma_wait3A_168 = arith.constant 0 : i32
    %dma_wait3A_169 = tpu.memref_slice %arg3[%dma_wait3A_167, %dma_wait3A_168] : memref<100000x128xf32, #tpu.memory_space<hbm>> -> memref<128x128xf32, #tpu.memory_space<hbm>>
    %dma_wait3A_170 = arith.constant 0 : i32
    %dma_wait3A_171 = arith.constant 0 : i32
    %dma_wait3A_172 = tpu.memref_slice %arg3[%dma_wait3A_170, %dma_wait3A_171] : memref<100000x128xf32, #tpu.memory_space<hbm>> -> memref<128x128xf32, #tpu.memory_space<hbm>>
    tpu.wait_dma2 semaphore(%arg13 : memref<!tpu.dma_semaphore, #tpu.memory_space<semaphore_mem>>) src(%dma_wait3A_172 : memref<128x128xf32, #tpu.memory_space<hbm>>) dst(%arg7 : memref<128x128xf32, #tpu.memory_space<vmem>>)
    %dma_start3A_173 = arith.constant 49 : i32
    %dma_start3A_174 = arith.constant 0 : i32
    %dma_start3A_175 = tpu.memref_slice %arg4[%dma_start3A_173, %mul3A_2, %dma_start3A_174] : memref<50x4096x128xf32, #tpu.memory_space<hbm>> -> memref<1x128x128xf32, #tpu.memory_space<hbm>>
    %dma_start3A_176 = tpu.memref_squeeze %dma_start3A_175 : memref<1x128x128xf32, #tpu.memory_space<hbm>> -> memref<128x128xf32, #tpu.memory_space<hbm>>
    %dma_start3A_177 = arith.constant 0 : i32
    %dma_start3A_178 = tpu.memref_slice %arg4[%dma_start3A_173, %mul3A_2, %dma_start3A_177] : memref<50x4096x128xf32, #tpu.memory_space<hbm>> -> memref<1x128x128xf32, #tpu.memory_space<hbm>>
    %dma_start3A_179 = tpu.memref_squeeze %dma_start3A_178 : memref<1x128x128xf32, #tpu.memory_space<hbm>> -> memref<128x128xf32, #tpu.memory_space<hbm>>
    tpu.enqueue_dma source(%arg7 : memref<128x128xf32, #tpu.memory_space<vmem>>) target(%dma_start3A_179 : memref<128x128xf32, #tpu.memory_space<hbm>>) target_semaphore(%arg19 : memref<!tpu.dma_semaphore, #tpu.memory_space<semaphore_mem>>)
    %dma_wait3A_180 = arith.constant 0 : i32
    %dma_wait3A_181 = arith.constant 0 : i32
    %dma_wait3A_182 = tpu.memref_slice %arg4[%dma_wait3A_180, %mul3A_2, %dma_wait3A_181] : memref<50x4096x128xf32, #tpu.memory_space<hbm>> -> memref<1x128x128xf32, #tpu.memory_space<hbm>>
    %dma_wait3A_183 = tpu.memref_squeeze %dma_wait3A_182 : memref<1x128x128xf32, #tpu.memory_space<hbm>> -> memref<128x128xf32, #tpu.memory_space<hbm>>
    %dma_wait3A_184 = arith.constant 0 : i32
    %dma_wait3A_185 = tpu.memref_slice %arg4[%dma_wait3A_180, %mul3A_2, %dma_wait3A_184] : memref<50x4096x128xf32, #tpu.memory_space<hbm>> -> memref<1x128x128xf32, #tpu.memory_space<hbm>>
    %dma_wait3A_186 = tpu.memref_squeeze %dma_wait3A_185 : memref<1x128x128xf32, #tpu.memory_space<hbm>> -> memref<128x128xf32, #tpu.memory_space<hbm>>
    tpu.wait_dma2 semaphore(%arg18 : memref<!tpu.dma_semaphore, #tpu.memory_space<semaphore_mem>>) src(%arg6 : memref<128x128xf32, #tpu.memory_space<vmem>>) dst(%dma_wait3A_186 : memref<128x128xf32, #tpu.memory_space<hbm>>)
    %dma_wait3A_187 = arith.constant 0 : i32
    %dma_wait3A_188 = arith.constant 0 : i32
    %dma_wait3A_189 = tpu.memref_slice %arg4[%dma_wait3A_187, %mul3A_2, %dma_wait3A_188] : memref<50x4096x128xf32, #tpu.memory_space<hbm>> -> memref<1x128x128xf32, #tpu.memory_space<hbm>>
    %dma_wait3A_190 = tpu.memref_squeeze %dma_wait3A_189 : memref<1x128x128xf32, #tpu.memory_space<hbm>> -> memref<128x128xf32, #tpu.memory_space<hbm>>
    %dma_wait3A_191 = arith.constant 0 : i32
    %dma_wait3A_192 = tpu.memref_slice %arg4[%dma_wait3A_187, %mul3A_2, %dma_wait3A_191] : memref<50x4096x128xf32, #tpu.memory_space<hbm>> -> memref<1x128x128xf32, #tpu.memory_space<hbm>>
    %dma_wait3A_193 = tpu.memref_squeeze %dma_wait3A_192 : memref<1x128x128xf32, #tpu.memory_space<hbm>> -> memref<128x128xf32, #tpu.memory_space<hbm>>
    tpu.wait_dma2 semaphore(%arg19 : memref<!tpu.dma_semaphore, #tpu.memory_space<semaphore_mem>>) src(%arg7 : memref<128x128xf32, #tpu.memory_space<vmem>>) dst(%dma_wait3A_193 : memref<128x128xf32, #tpu.memory_space<hbm>>)
    %dma_wait3A_194 = arith.constant 0 : i32
    %dma_wait3A_195 = arith.constant 0 : i32
    %dma_wait3A_196 = tpu.memref_slice %arg4[%dma_wait3A_194, %mul3A_2, %dma_wait3A_195] : memref<50x4096x128xf32, #tpu.memory_space<hbm>> -> memref<1x128x128xf32, #tpu.memory_space<hbm>>
    %dma_wait3A_197 = tpu.memref_squeeze %dma_wait3A_196 : memref<1x128x128xf32, #tpu.memory_space<hbm>> -> memref<128x128xf32, #tpu.memory_space<hbm>>
    %dma_wait3A_198 = arith.constant 0 : i32
    %dma_wait3A_199 = tpu.memref_slice %arg4[%dma_wait3A_194, %mul3A_2, %dma_wait3A_198] : memref<50x4096x128xf32, #tpu.memory_space<hbm>> -> memref<1x128x128xf32, #tpu.memory_space<hbm>>
    %dma_wait3A_200 = tpu.memref_squeeze %dma_wait3A_199 : memref<1x128x128xf32, #tpu.memory_space<hbm>> -> memref<128x128xf32, #tpu.memory_space<hbm>>
    tpu.wait_dma2 semaphore(%arg20 : memref<!tpu.dma_semaphore, #tpu.memory_space<semaphore_mem>>) src(%arg8 : memref<128x128xf32, #tpu.memory_space<vmem>>) dst(%dma_wait3A_200 : memref<128x128xf32, #tpu.memory_space<hbm>>)
    %dma_wait3A_201 = arith.constant 0 : i32
    %dma_wait3A_202 = arith.constant 0 : i32
    %dma_wait3A_203 = tpu.memref_slice %arg4[%dma_wait3A_201, %mul3A_2, %dma_wait3A_202] : memref<50x4096x128xf32, #tpu.memory_space<hbm>> -> memref<1x128x128xf32, #tpu.memory_space<hbm>>
    %dma_wait3A_204 = tpu.memref_squeeze %dma_wait3A_203 : memref<1x128x128xf32, #tpu.memory_space<hbm>> -> memref<128x128xf32, #tpu.memory_space<hbm>>
    %dma_wait3A_205 = arith.constant 0 : i32
    %dma_wait3A_206 = tpu.memref_slice %arg4[%dma_wait3A_201, %mul3A_2, %dma_wait3A_205] : memref<50x4096x128xf32, #tpu.memory_space<hbm>> -> memref<1x128x128xf32, #tpu.memory_space<hbm>>
    %dma_wait3A_207 = tpu.memref_squeeze %dma_wait3A_206 : memref<1x128x128xf32, #tpu.memory_space<hbm>> -> memref<128x128xf32, #tpu.memory_space<hbm>>
    tpu.wait_dma2 semaphore(%arg21 : memref<!tpu.dma_semaphore, #tpu.memory_space<semaphore_mem>>) src(%arg9 : memref<128x128xf32, #tpu.memory_space<vmem>>) dst(%dma_wait3A_207 : memref<128x128xf32, #tpu.memory_space<hbm>>)
    %dma_wait3A_208 = arith.constant 0 : i32
    %dma_wait3A_209 = arith.constant 0 : i32
    %dma_wait3A_210 = tpu.memref_slice %arg4[%dma_wait3A_208, %mul3A_2, %dma_wait3A_209] : memref<50x4096x128xf32, #tpu.memory_space<hbm>> -> memref<1x128x128xf32, #tpu.memory_space<hbm>>
    %dma_wait3A_211 = tpu.memref_squeeze %dma_wait3A_210 : memref<1x128x128xf32, #tpu.memory_space<hbm>> -> memref<128x128xf32, #tpu.memory_space<hbm>>
    %dma_wait3A_212 = arith.constant 0 : i32
    %dma_wait3A_213 = tpu.memref_slice %arg4[%dma_wait3A_208, %mul3A_2, %dma_wait3A_212] : memref<50x4096x128xf32, #tpu.memory_space<hbm>> -> memref<1x128x128xf32, #tpu.memory_space<hbm>>
    %dma_wait3A_214 = tpu.memref_squeeze %dma_wait3A_213 : memref<1x128x128xf32, #tpu.memory_space<hbm>> -> memref<128x128xf32, #tpu.memory_space<hbm>>
    tpu.wait_dma2 semaphore(%arg22 : memref<!tpu.dma_semaphore, #tpu.memory_space<semaphore_mem>>) src(%arg10 : memref<128x128xf32, #tpu.memory_space<vmem>>) dst(%dma_wait3A_214 : memref<128x128xf32, #tpu.memory_space<hbm>>)
    %dma_wait3A_215 = arith.constant 0 : i32
    %dma_wait3A_216 = arith.constant 0 : i32
    %dma_wait3A_217 = tpu.memref_slice %arg4[%dma_wait3A_215, %mul3A_2, %dma_wait3A_216] : memref<50x4096x128xf32, #tpu.memory_space<hbm>> -> memref<1x128x128xf32, #tpu.memory_space<hbm>>
    %dma_wait3A_218 = tpu.memref_squeeze %dma_wait3A_217 : memref<1x128x128xf32, #tpu.memory_space<hbm>> -> memref<128x128xf32, #tpu.memory_space<hbm>>
    %dma_wait3A_219 = arith.constant 0 : i32
    %dma_wait3A_220 = tpu.memref_slice %arg4[%dma_wait3A_215, %mul3A_2, %dma_wait3A_219] : memref<50x4096x128xf32, #tpu.memory_space<hbm>> -> memref<1x128x128xf32, #tpu.memory_space<hbm>>
    %dma_wait3A_221 = tpu.memref_squeeze %dma_wait3A_220 : memref<1x128x128xf32, #tpu.memory_space<hbm>> -> memref<128x128xf32, #tpu.memory_space<hbm>>
    tpu.wait_dma2 semaphore(%arg23 : memref<!tpu.dma_semaphore, #tpu.memory_space<semaphore_mem>>) src(%arg11 : memref<128x128xf32, #tpu.memory_space<vmem>>) dst(%dma_wait3A_221 : memref<128x128xf32, #tpu.memory_space<hbm>>)
    return
  }
}

</mosaic_0001>

<sc_bundles>
// kernel: kernel.3.cloned.1.call-start
scs
__scs_entry_jumppad:
0x0: {  	(pc) =	sbr.rel $0x88, $3  }
0x1: {  	(tag) =	ssettag $0x0;
	lr =	simm.s32 $0x1  }
0x2: {  	[smem:$0x3F9F] =	sst lr;
	_ =	strace $0xD0000000  }
0x3: {  	_ = 	snop  }
0x4: {  	_ = 	snop  }
0x5: {  	_ = 	snop  }
0x6: {  	_ = 	snop  }
0x7: {  	_ = 	snop  }
__scs_overlays_trampoline_lowered:
0x8: {  	[smem:$0x3FAE] =	sst s0  }
0x9: {  	[smem:$0x3FAF] =	sst s1  }
0xa: {  	[smem:$0x3FB0] =	sst s2  }
0xb: {  	[smem:$0x3FB1] =	sst s3  }
0xc: {  	[smem:$0x3FB2] =	sst s4  }
0xd: {  	[smem:$0x3FB3] =	sst s5  }
0xe: {  	[smem:$0x3FB4] =	sst s6  }
0xf: {  	[smem:$0x3FB5] =	sst s7  }
0x10: {  	[smem:$0x3FB6] =	sst s8  }
0x11: {  	[smem:$0x3FB7] =	sst s9;
	s0 =	simm.s32 @!p0 $0x0  }
0x12: {  	s1 =	sld [smem:$0x3F9D];
	s0 =	simm.s32 @p0 $0x1  }
0x13: {  	[smem:$0x3FB8] =	sst s0;
	s0 =	simm.s32 @!p1 $0x0  }
0x14: {  	s2 =	sld [smem:$0x3F9C];
	s0 =	simm.s32 @p1 $0x1  }
0x15: {  	[smem:$0x3FB9] =	sst s0;
	s0 =	simm.s32 @!p2 $0x0  }
0x16: {  	s3 =	sld [smem:$0x3FDB];
	s0 =	simm.s32 @p2 $0x1  }
0x17: {  	s4 =	simm.s32 $0x1BF5;
	[smem:$0x3FBB] =	sst s0  }
0x18: {  	s0 =	sld [smem:$0x3F9E];
	_ =	swait.ge [sflag:s4], $0x0  }
0x19: {  	s7 =	sld [smem:$0x3F9F]  }
0x1a: {  	s8 =	sadd.s32 $0xFFFFE003, lr  }
0x1b: {  	s9 =	sadd.s32 $0xFFFFFEF7, lr;
	s5 =	simm.s32 $0xFFFFFFFF;
	p2 =	slt.u32 s8, $0xFFFFF086  }
0x1c: {  	p1 =	slt.u32 s9, $0xF7A;
	s5 =	simm.s32 @!p2 $0x0  }
0x1d: {  	s5 =	simm.s32 @p1 $0x1;
	p0 =	seq.s32 s7, s2  }
0x1e: {  	s7 =	smul.u32 @!p0 $0xF7A, s2;
	p2 =	seq.s32 @!p0 s5, $0x0  }
0x1f: {  	s9 =	smul.u32 $0xF7A, s1;
	s8 =	simm.s32 @!p0 $0x1BF5;
	p2 =	por !p2, p0  }
0x20: {  	[sflag:s8] =	ssyncset.s32 @!p0 $0xFFFFF086;
	s6 =	sadd.s32 @!p0 s3, s7;
	s7 =	simm.s32 @!p0 $0x108  }
0x21: {  	s3 =	sadd.s32 s3, s9;
	s6 =	sadd.s32 @!p0 $0x88, s6;
	s7 =	simm.s32 @p2 $0x1082  }
0x22: {  	[simem:s7], [sflag:s8] =	dma.local @!p0 [hbm:s6], $0xF7A  }
0x23: {  	s9 =	sor.u32 $0xD0000000, s2;
	s6 =	simm.s32 $0x108;
	_ =	swait.ge @!p0 [sflag:s8], $0x0  }
0x24: {  	s3 =	sadd.s32 $0x88, s3;
	s6 =	simm.s32 @!p1 $0x1082;
	[sflag:s4] =	ssyncset.s32 $0xFFFFF086  }
0x25: {  	[simem:s6], [sflag:s4] =	dma.local [hbm:s3], $0xF7A  }
0x26: {  	[smem:$0x3F9F] =	sst s1;
	(tag) =	ssettag s2;
	_ =	strace s9  }
0x27: {  	s1 =	sld [smem:$0x3FAF]  }
0x28: {  	s2 =	sld [smem:$0x3FB0]  }
0x29: {  	s4 =	sld [smem:$0x3FB2]  }
0x2a: {  	p0 =	seq.s32 s5, $0x0;
	s5 =	sld [smem:$0x3FB3]  }
0x2b: {  	s6 =	sld [smem:$0x3FB4]  }
0x2c: {  	s7 =	sld [smem:$0x3FB5]  }
0x2d: {  	s3 =	simm.s32 $0x108;
	s8 =	sld [smem:$0x3FB6]  }
0x2e: {  	s3 =	simm.s32 @!p0 $0x1082;
	s9 =	sld [smem:$0x3FB7]  }
0x2f: {  	lr =	sadd.s32 s0, s3;
	s0 =	sld [smem:$0x3FAE]  }
0x30: {  	s3 =	sld [smem:$0x3FB1]  }
0x31: {  	[smem:$0x3FBA] =	sst s10  }
0x32: {  	s10 =	sld [smem:$0x3FB8];
	_ =	sdelay $0x3  }
0x33: {  	p0 =	seq.s32 s10, $0x1;
	s10 =	sld [smem:$0x3FBA];
	_ =	sdelay $0x3  }
0x34: {  	[smem:$0x3FBA] =	sst s10  }
0x35: {  	s10 =	sld [smem:$0x3FB9];
	_ =	sdelay $0x3  }
0x36: {  	p1 =	seq.s32 s10, $0x1;
	s10 =	sld [smem:$0x3FBA];
	_ =	sdelay $0x3  }
0x37: {  	[smem:$0x3FBA] =	sst s10  }
0x38: {  	s10 =	sld [smem:$0x3FBB]  }
0x39: {  	_ = 	snop;
	(pc) =	sbr.ind lr, $3  }
0x3a: {  	_ = 	snop  }
0x3b: {  	_ = 	snop  }
0x3c: {  	p2 =	seq.s32 s10, $0x1;
	s10 =	sld [smem:$0x3FBA]  }
0x3d: {  	_ =	shalt  }
0x3e: {  	_ =	shalt  }
0x3f: {  	_ =	shalt  }
0x40: {  	_ =	shalt  }
0x41: {  	_ =	shalt  }
0x42: {  	_ =	shalt  }
0x43: {  	_ =	shalt  }
0x44: {  	_ =	shalt  }
0x45: {  	_ =	shalt  }
0x46: {  	_ =	shalt  }
0x47: {  	_ =	shalt  }
0x48: {  	_ =	shalt  }
0x49: {  	_ =	shalt  }
0x4a: {  	_ =	shalt  }
0x4b: {  	_ =	shalt  }
0x4c: {  	_ =	shalt  }
0x4d: {  	_ =	shalt  }
0x4e: {  	_ =	shalt  }
0x4f: {  	_ =	shalt  }
0x50: {  	_ =	shalt  }
0x51: {  	_ =	shalt  }
0x52: {  	_ =	shalt  }
0x53: {  	_ =	shalt  }
0x54: {  	_ =	shalt  }
0x55: {  	_ =	shalt  }
0x56: {  	_ =	shalt  }
0x57: {  	_ =	shalt  }
0x58: {  	_ =	shalt  }
0x59: {  	_ =	shalt  }
0x5a: {  	_ =	shalt  }
0x5b: {  	_ =	shalt  }
0x5c: {  	_ =	shalt  }
0x5d: {  	_ =	shalt  }
0x5e: {  	_ =	shalt  }
0x5f: {  	_ =	shalt  }
0x60: {  	_ =	shalt  }
0x61: {  	_ =	shalt  }
0x62: {  	_ =	shalt  }
0x63: {  	_ =	shalt  }
0x64: {  	_ =	shalt  }
0x65: {  	_ =	shalt  }
0x66: {  	_ =	shalt  }
0x67: {  	_ =	shalt  }
0x68: {  	_ =	shalt  }
0x69: {  	_ =	shalt  }
0x6a: {  	_ =	shalt  }
0x6b: {  	_ =	shalt  }
0x6c: {  	_ =	shalt  }
0x6d: {  	_ =	shalt  }
0x6e: {  	_ =	shalt  }
0x6f: {  	_ =	shalt  }
0x70: {  	_ =	shalt  }
0x71: {  	_ =	shalt  }
0x72: {  	_ =	shalt  }
0x73: {  	_ =	shalt  }
0x74: {  	_ =	shalt  }
0x75: {  	_ =	shalt  }
0x76: {  	_ =	shalt  }
0x77: {  	_ =	shalt  }
0x78: {  	_ =	shalt  }
0x79: {  	_ =	shalt  }
0x7a: {  	_ =	shalt  }
0x7b: {  	_ =	shalt  }
0x7c: {  	_ =	shalt  }
0x7d: {  	_ =	shalt  }
0x7e: {  	_ =	shalt  }
0x7f: {  	_ =	shalt  }
0x80: {  	_ =	shalt  }
0x81: {  	_ =	shalt  }
0x82: {  	_ =	shalt  }
0x83: {  	_ =	shalt  }
0x84: {  	_ =	shalt  }
0x85: {  	_ =	shalt  }
0x86: {  	_ =	shalt  }
0x87: {  	_ =	shalt  }
.Lfunc_end0:
.L_simem_size_0:
called_computation_lowered:
.L_overlay_start_0:
0x88: {  	s2 =	sld [smem:$0x3FD9]  }
0x89: {  	s3 =	sld [smem:$0x3FFE];
	_ =	sdelay $0x1  }
0x8a: {  	s1 =	srdreg.scid  }
0x8b: {  	s0 =	sand.u32 $0x1, s1  }
0x8c: {  	s18 =	sshll.u32 s0, $0xA;
	s2 =	sadd.s32 s3, s2  }
0x8d: {  	s2 =	sadd.s32 s2, s18  }
0x8e: {  	[smem:$0x3FC6] =	sst s2  }
0x8f: {  	_ = 	snop  }
0x90: {  	s2 =	sld [smem:$0x3FC9]  }
0x91: {  	s19 =	sld [smem:$0x3FC8]  }
0x92: {  	s4 =	sld [smem:$0x3FD0];
	(tm) =	ssettm $0x1  }
0x93: {  	s5 =	sld [smem:$0x3FFB];
	_ =	sdelay $0x3  }
0x94: {  	_ =	strace s5  }
0x95: {  	s5 =	sld [smem:$0x3FFC];
	_ =	sdelay $0x3  }
0x96: {  	_ =	strace s5  }
0x97: {  	s5 =	sld [smem:$0x3FFD];
	_ =	sdelay $0x3  }
0x98: {  	_ =	strace s5  }
0x99: {  	_ =	strace $0x8FFFFFFF  }
0x9a: {  	s20 =	sld [smem:$0x3FDB];
	_ =	sdelay $0x1  }
0x9b: {  	s6 =	simm.s32 $_scs_section_size  }
0x9c: {  	s7 =	simm.s32 $_size__tile_overlayer_lowered;
	s8 =	simm.s32 $_tile_overlayer_lowered  }
0x9d: {  	s23 =	simm.s32 $0x1BFF;
	s22 =	sshll.u32 s8, $0x1;
	s5 =	sadd.s32 s6, s20  }
0x9e: {  	s9 =	simm.s32 $0x0;
	s21 =	sshll.u32 s7, $0x1;
	s7 =	sadd.s32 s22, s5  }
0x9f: {  	[timem:s9], [sflag:s23] =	dma.local [hbm:s7], s21  }
0xa0: {  	_ =	swait.ge [sflag:s23], s21  }
0xa1: {  	s6 =	ssub.s32 $0x0, s21;
	[sflag:s23] =	ssyncset.done $0x0  }
0xa2: {  	[sflag:s23] =	ssyncadd.s32 s6;
	_ =	sdelay $0x1  }
0xa3: {  	s24 =	simm.s32 $0x1B8B  }
0xa4: {  	_ =	swait.ge [sflag:s24], $0x1  }
0xa5: {  	[sflag:s24] =	ssyncset.done $0x0  }
0xa6: {  	s25 =	simm.s32 $0x1B8E;
	[sflag:s24] =	ssyncadd.s32 $0xFFFFFFFF  }
0xa7: {  	s26 =	simm.s32 $execute0_lowered;
	[smem:$0x3FD2] =	sst s25  }
0xa8: {  	s6 =	sshll.u32 s26, $0x1;
	_ =	strace $0x80000046;
	[dreg:$0x1] =	wrdreg $0xFFFFFFFF  }
0xa9: {  	s28 =	simm.s32 $_size_execute0_lowered;
	s5 =	sadd.s32 s5, s6;
	[dreg:$0x0] =	wrdreg $0x0  }
0xaa: {  	s6 =	sshll.u32 s28, $0x1;
	[dreg:$0x2] =	wrdreg s5  }
0xab: {  	[dreg:$0x3] =	wrdreg s6  }
0xac: {  	[dreg:$0x4] =	wrdreg $0xC0  }
0xad: {  	_ =	task [dreg:s9], $0x5FFFF  }
0xae: {  	[dreg:$0x1] =	wrdreg $0xFFFFFFFF  }
0xaf: {  	[dreg:$0x0] =	wrdreg $0x60  }
0xb0: {  	[dreg:$0x2] =	wrdreg s2  }
0xb1: {  	[dreg:$0x3] =	wrdreg s19  }
0xb2: {  	[dreg:$0x4] =	wrdreg s4  }
0xb3: {  	[dreg:$0x5] =	wrdreg $0x9  }
0xb4: {  	_ =	task.clear_ibuf [dreg:s9], $0x6FFFF;
	_ =	strace $0x90000046  }
0xb5: {  	s29 =	simm.s32 $0x9;
	_ =	strace $0x80000048  }
0xb6: {  	_ =	swait.ge [sflag:s29], $0x1  }
0xb7: {  	[sflag:s29] =	ssyncadd.s32 $0xFFFFFFFF  }
0xb8: {  	_ =	strace $0x90000048  }
0xb9: {  	_ =	sfence  }
0xba: {  	s30 =	sld [smem:$0x0];
	_ =	sdelay $0x2  }
0xbb: {  	s31 =	sshll.u32 s1, $0xD;
	s1 =	sshrl.u32 s1, $0x2  }
0xbc: {  	s3 =	sand.u32 $0x4000, s31;
	s1 =	sadd.s32 s1, s30  }
0xbd: {  	s0 =	sor.u32 s3, s0;
	s1 =	sshll.u32 s1, $0x11  }
0xbe: {  	s0 =	sor.u32 s1, s0  }
0xbf: {  	s0 =	sadd.s32 $0x8F2B, s0  }
0xc0: {  	[sflag:s0] =	ssyncadd.remote.s32 $0x1  }
0xc1: {  	_ =	sfence.sel $0xFFFF  }
0xc2: {  	[dreg:$0x0] =	wrdreg $0xFFFFFFFF;
	(pc) =	sbr.abs _section_cstart, $3  }
0xc3: {  	[dreg:$0x1] =	wrdreg $0xFFFFFFFF  }
0xc4: {  	_ =	task.clear_ibuf [dreg:s9], $0x2FFFF;
	_ =	strace $0x9FFFFFFF  }
0xc5: {  	(tm) =	ssettm $0x7FFFFFFF  }
tec
execute0_lowered:
.L_overlay_start_1:
0x0: {  	(tag) =	ssettag $0x1  }
0x1: {  	s0 =	rddreg [dreg:$0x0]  }
0x2: {  	s2 =	rddreg [dreg:$0x1]  }
0x3: {  	s22 =	rddreg [dreg:$0x2]  }
0x4: {  	s1 =	srdreg.scid;
	s3 =	stileid.u32  }
0x5: {  	s4 =	simm.s32 $0x0;
	s29 =	simm.s32 $0x1C00;
	s1 =	sand.u32 $0x1, s1  }
0x6: {  	s31 =	simm.s32 $0x5C00;
	s5 =	sshll.u32 s3, $0x8;
	s6 =	sshll.u32 s1, $0x7  }
0x7: {  	[smem:$0x7FF] =	sst s4;
	s7 =	ssub.s32 $0x2, s1;
	s5 =	sor.u32 s6, s5  }
0x8: {  	_ =	strace $0x80000047;
	s30 =	sshrl.u32 s7, $0x1;
	s0 =	sadd.s32 s0, s5  }
0x9: {  	s8 =	sshll.u32 s5, $0x4;
	[dreg:$0x4] =	wrdreg s0;
	s0 =	sadd.s32 $0x6000, s0  }
0xa: {  	s6 =	ssub.s32 s7, s30;
	s7 =	sadd.s32 s22, s8;
	[dreg:$0x6] =	wrdreg s0  }
0xb: {  	s28 =	simm.s32 $0x15C00;
	s17 =	smax.u32 s6, $0x1;
	[dreg:$0x5] =	wrdreg s7  }
0xc: {  	s11 =	sshll.u32 s3, $0xF;
	s8 =	sadd.s32 $0x10000, s7;
	[dreg:$0xe] =	wrdreg s17  }
0xd: {  	s1 =	sshll.u32 s1, $0xE;
	s9 =	sadd.s32 $0x20000, s7;
	[dreg:$0x7] =	wrdreg s8  }
0xe: {  	s5 =	simm.s32 $0x6;
	s10 =	sadd.s32 $0x2D0000, s7;
	[dreg:$0x8] =	wrdreg s9  }
0xf: {  	s12 =	sadd.s32 $0x2E0000, s7;
	s13 =	sadd.s32 $0x2F0000, s7;
	[dreg:$0x9] =	wrdreg s10  }
0x10: {  	s0 =	sor.u32 s1, s11;
	s14 =	sadd.s32 $0x300000, s7;
	[dreg:$0xa] =	wrdreg s12  }
0x11: {  	s15 =	sadd.s32 $0x310000, s7;
	s17 =	simm.s32 $0x1800;
	[dreg:$0xb] =	wrdreg s13  }
0x12: {  	s7 =	simm.s32 $0x3;
	s11 =	simm.s32 $0x5;
	[dreg:$0xc] =	wrdreg s14  }
0x13: {  	[dreg:$0xd] =	wrdreg s15;
	s16 =	sor.u32 $0x280000, s0;
	s18 =	sor.u32 $0x200000, s0  }
0x14: {  	s20 =	sor.u32 $0x180000, s0;
	s23 =	sor.u32 $0x380000, s0;
	s25 =	sor.u32 $0x400000, s0  }
0x15: {  	s0 =	sor.u32 $0x300000, s0;
	s8 =	simm.s32 $0x7;
	s9 =	simm.s32 $0x4  }
0x16: {  	s10 =	simm.s32 $0x8;
	s12 =	simm.s32 $0x9;
	s13 =	simm.s32 $0xA  }
0x17: {  	s14 =	simm.s32 $0xB;
	s15 =	simm.s32 $0xC;
	s1 =	sshrl.u32 s16, $0x3  }
0x18: {  	s24 =	sshrl.u32 s23, $0x3;
	[dreg:$0x12] =	wrdreg s0;
	s1 =	sadd.s32 s1, s22  }
0x19: {  	s30 =	sshrl.u32 s25, $0x3;
	s26 =	sadd.s32 s24, s22;
	[dreg:$0xf] =	wrdreg s1  }
0x1a: {  	s19 =	sshrl.u32 s18, $0x3;
	s0 =	sadd.s32 s30, s22;
	[dreg:$0x13] =	wrdreg s26  }
0x1b: {  	s21 =	sshrl.u32 s20, $0x3;
	s1 =	sadd.s32 s19, s22;
	[dreg:$0x14] =	wrdreg s0  }
0x1c: {  	s26 =	simm.s32 $0x80;
	[dreg:$0x10] =	wrdreg s1;
	s1 =	sadd.s32 s21, s22  }
0x1d: {  	s0 =	simm.s32 $0x2;
	[dreg:$0x11] =	wrdreg s1;
	s1 =	simm.s32 $0x0  }
.LBB2_1:
0x1e: {  	s3 =	rddreg [dreg:$0x4];
	s6 =	simm.s32 $0x400;
	s16 =	simm.s32 $0x8000  }
0x1f: {  	[tilespmem:s4], [sflag:$0xD] =	stream.strided.gather [hbm4b:s3+s6], $0x1800, s16, s6, $0x38;
	[tilespmem:$0x19C00] =	vst v63  }
0x20: {  	s16 =	rddreg [dreg:$0x6]  }
0x21: {  	[tilespmem:s17], [sflag:$0xD] =	stream.linear.gather [hbm4b:s16+s4], $0x100, $0x38;
	[tilespmem:$0x19C00] =	vst v63  }
0x22: {  	[dreg:$0x15] =	wrdreg s1;
	s17 =	simm.s32 $0xD  }
0x23: {  	_ =	swait.ge [sflag:s17], $0x1900  }
0x24: {  	[sflag:s17] =	ssyncset.done $0x0  }
0x25: {  	s16 =	simm.s32 $0x1C00;
	[sflag:s17] =	ssyncadd.s32 $0xFFFFE700  }
0x26: {  	[tilespmem:s16], [sflag:$0x1] =	stream.indirect.gather [hbm4b:s2+s26], $0x80, s4, s26, $0xb8;
	[tilespmem:$0x19C00] =	vst v63  }
0x27: {  	s21 =	simm.s32 $0x5C00  }
0x28: {  	[tilespmem:s21], [sflag:$0x2] =	stream.indirect.gather [hbm4b:s2+s26], $0x80, s26, s26, $0xb8;
	[tilespmem:$0x19C00] =	vst v63  }
0x29: {  	s18 =	simm.s32 $0x100;
	s1 =	simm.s32 $0x9C00  }
0x2a: {  	[tilespmem:s1], [sflag:$0x3] =	stream.indirect.gather [hbm4b:s2+s26], $0x80, s18, s26, $0xb8;
	[tilespmem:$0x19C00] =	vst v63  }
0x2b: {  	s19 =	simm.s32 $0x180;
	s24 =	simm.s32 $0x1;
	s18 =	simm.s32 $0xDC00  }
0x2c: {  	[tilespmem:s18], [sflag:$0x4] =	stream.indirect.gather [hbm4b:s2+s26], $0x80, s19, s26, $0xb8;
	[tilespmem:$0x19C00] =	vst v63  }
0x2d: {  	_ =	swait.ge [sflag:s24], $0x4000  }
0x2e: {  	[sflag:s24] =	ssyncset.done $0x0  }
0x2f: {  	s20 =	rddreg [dreg:$0x5];
	[sflag:s24] =	ssyncadd.s32 $0xFFFFC000  }
0x30: {  	[hbm4b:s20+s4] =	stream.linear.scatter [tilespmem:s16], [sflag:$0x7], $0x4000, $0x38;
	[tilespmem:$0x19C00] =	vst v63  }
0x31: {  	s23 =	simm.s32 $0x200;
	s19 =	simm.s32 $0x11C00  }
0x32: {  	[tilespmem:s19], [sflag:$0x5] =	stream.indirect.gather [hbm4b:s2+s26], $0x80, s23, s26, $0xb8;
	[tilespmem:$0x19C00] =	vst v63  }
0x33: {  	_ =	swait.ge [sflag:s0], $0x4000  }
0x34: {  	[sflag:s0] =	ssyncset.done $0x0  }
0x35: {  	s25 =	rddreg [dreg:$0x7];
	[sflag:s0] =	ssyncadd.s32 $0xFFFFC000  }
0x36: {  	[hbm4b:s25+s4] =	stream.linear.scatter [tilespmem:s21], [sflag:$0x8], $0x4000, $0x38;
	[tilespmem:$0x19C00] =	vst v63  }
0x37: {  	s30 =	simm.s32 $0x280;
	s23 =	simm.s32 $0x15C00  }
0x38: {  	[tilespmem:s23], [sflag:$0x6] =	stream.indirect.gather [hbm4b:s2+s26], $0x80, s30, s26, $0xb8;
	[tilespmem:$0x19C00] =	vst v63  }
0x39: {  	_ =	swait.ge [sflag:s7], $0x4000  }
0x3a: {  	[sflag:s7] =	ssyncset.done $0x0  }
0x3b: {  	s6 =	rddreg [dreg:$0x8];
	[sflag:s7] =	ssyncadd.s32 $0xFFFFC000  }
0x3c: {  	[hbm4b:s6+s4] =	stream.linear.scatter [tilespmem:s1], [sflag:$0x9], $0x4000, $0x38;
	[tilespmem:$0x19C00] =	vst v63  }
0x3d: {  	_ =	swait.ge [sflag:s8], $0x4000  }
0x3e: {  	[sflag:s8] =	ssyncset.done $0x0  }
0x3f: {  	s17 =	simm.s32 $0x300;
	[sflag:s8] =	ssyncadd.s32 $0xFFFFC000  }
0x40: {  	[tilespmem:s16], [sflag:$0x1] =	stream.indirect.gather [hbm4b:s2+s26], $0x80, s17, s26, $0xb8;
	[tilespmem:$0x19C00] =	vst v63  }
0x41: {  	_ =	swait.ge [sflag:s9], $0x4000  }
0x42: {  	[sflag:s9] =	ssyncset.done $0x0  }
0x43: {  	s17 =	rddreg [dreg:$0x11];
	[sflag:s9] =	ssyncadd.s32 $0xFFFFC000  }
0x44: {  	[hbm4b:s17+s4] =	stream.linear.scatter [tilespmem:s18], [sflag:$0xA], $0x4000, $0x38;
	[tilespmem:$0x19C00] =	vst v63  }
0x45: {  	_ =	swait.ge [sflag:s10], $0x4000  }
0x46: {  	[sflag:s10] =	ssyncset.done $0x0  }
0x47: {  	s20 =	simm.s32 $0x380;
	[sflag:s10] =	ssyncadd.s32 $0xFFFFC000  }
0x48: {  	[tilespmem:s21], [sflag:$0x2] =	stream.indirect.gather [hbm4b:s2+s26], $0x80, s20, s26, $0xb8;
	[tilespmem:$0x19C00] =	vst v63  }
0x49: {  	_ =	swait.ge [sflag:s11], $0x4000  }
0x4a: {  	[sflag:s11] =	ssyncset.done $0x0  }
0x4b: {  	s20 =	rddreg [dreg:$0x10];
	[sflag:s11] =	ssyncadd.s32 $0xFFFFC000  }
0x4c: {  	[hbm4b:s20+s4] =	stream.linear.scatter [tilespmem:s19], [sflag:$0xB], $0x4000, $0x38;
	[tilespmem:$0x19C00] =	vst v63  }
0x4d: {  	_ =	swait.ge [sflag:s12], $0x4000  }
0x4e: {  	[sflag:s12] =	ssyncset.done $0x0  }
0x4f: {  	s25 =	simm.s32 $0x400;
	[sflag:s12] =	ssyncadd.s32 $0xFFFFC000  }
0x50: {  	[tilespmem:s1], [sflag:$0x3] =	stream.indirect.gather [hbm4b:s2+s26], $0x80, s25, s26, $0xb8;
	[tilespmem:$0x19C00] =	vst v63  }
0x51: {  	_ =	swait.ge [sflag:s5], $0x4000  }
0x52: {  	[sflag:s5] =	ssyncset.done $0x0  }
0x53: {  	s3 =	rddreg [dreg:$0xf];
	[sflag:s5] =	ssyncadd.s32 $0xFFFFC000  }
0x54: {  	[hbm4b:s3+s4] =	stream.linear.scatter [tilespmem:s23], [sflag:$0xC], $0x4000, $0x38;
	[tilespmem:$0x19C00] =	vst v63  }
0x55: {  	_ =	swait.ge [sflag:s13], $0x4000  }
0x56: {  	[sflag:s13] =	ssyncset.done $0x0  }
0x57: {  	s30 =	simm.s32 $0x480;
	[sflag:s13] =	ssyncadd.s32 $0xFFFFC000  }
0x58: {  	[tilespmem:s18], [sflag:$0x4] =	stream.indirect.gather [hbm4b:s2+s26], $0x80, s30, s26, $0xb8;
	[tilespmem:$0x19C00] =	vst v63  }
0x59: {  	_ =	swait.ge [sflag:s24], $0x4000  }
0x5a: {  	s18 =	rddreg [dreg:$0x12]  }
0x5b: {  	[sflag:s24] =	ssyncset.done $0x0;
	s1 =	sshrl.u32 s18, $0x3  }
0x5c: {  	[sflag:s24] =	ssyncadd.s32 $0xFFFFC000;
	s6 =	sadd.s32 s22, s1  }
0x5d: {  	[hbm4b:s6+s4] =	stream.linear.scatter [tilespmem:s16], [sflag:$0x7], $0x4000, $0x38;
	[tilespmem:$0x19C00] =	vst v63  }
0x5e: {  	_ =	swait.ge [sflag:s14], $0x4000  }
0x5f: {  	[sflag:s14] =	ssyncset.done $0x0  }
0x60: {  	s24 =	simm.s32 $0x500;
	[sflag:s14] =	ssyncadd.s32 $0xFFFFC000  }
0x61: {  	[tilespmem:s19], [sflag:$0x5] =	stream.indirect.gather [hbm4b:s2+s26], $0x80, s24, s26, $0xb8;
	[tilespmem:$0x19C00] =	vst v63  }
0x62: {  	_ =	swait.ge [sflag:s0], $0x4000  }
0x63: {  	[sflag:s0] =	ssyncset.done $0x0  }
0x64: {  	s25 =	rddreg [dreg:$0x13];
	[sflag:s0] =	ssyncadd.s32 $0xFFFFC000  }
0x65: {  	[hbm4b:s25+s4] =	stream.linear.scatter [tilespmem:s21], [sflag:$0x8], $0x4000, $0x38;
	[tilespmem:$0x19C00] =	vst v63  }
0x66: {  	_ =	swait.ge [sflag:s15], $0x4000  }
0x67: {  	s17 =	sadd.s32 $0x60000, s17;
	[sflag:s15] =	ssyncset.done $0x0  }
0x68: {  	s20 =	sadd.s32 $0x60000, s20;
	s30 =	simm.s32 $0x580;
	[sflag:s15] =	ssyncadd.s32 $0xFFFFC000  }
0x69: {  	[tilespmem:s23], [sflag:$0x6] =	stream.indirect.gather [hbm4b:s2+s26], $0x80, s30, s26, $0xb8;
	[tilespmem:$0x19C00] =	vst v63  }
0x6a: {  	s18 =	sadd.s32 $0x300000, s18;
	s6 =	simm.s32 $0xC00;
	_ =	swait.ge [sflag:s7], $0x4000  }
0x6b: {  	s19 =	sadd.s32 $0x60000, s3;
	s21 =	rddreg [dreg:$0x14];
	[sflag:s7] =	ssyncset.done $0x0  }
0x6c: {  	s25 =	sadd.s32 $0x60000, s25;
	s16 =	sadd.s32 $0x60000, s21;
	[sflag:s7] =	ssyncadd.s32 $0xFFFFC000  }
.LBB2_2:
0x6d: {  	s30 =	simm.s32 $0x9C00  }
0x6e: {  	[hbm4b:s21+s4] =	stream.linear.scatter [tilespmem:s30], [sflag:$0x9], $0x4000, $0x38;
	[tilespmem:$0x19C00] =	vst v63  }
0x6f: {  	s24 =	smov.u32 s6;
	_ =	swait.ge [sflag:s8], $0x4000  }
0x70: {  	s24 =	sshra.s32 s24, $0x2;
	[sflag:s8] =	ssyncset.done $0x0  }
0x71: {  	s3 =	sadd.s32 $0x300, s24;
	[sflag:s8] =	ssyncadd.s32 $0xFFFFC000  }
0x72: {  	[tilespmem:s29], [sflag:$0x1] =	stream.indirect.gather [hbm4b:s2+s26], $0x80, s3, s26, $0xb8;
	[tilespmem:$0x19C00] =	vst v63  }
0x73: {  	_ =	swait.ge [sflag:s9], $0x4000  }
0x74: {  	[sflag:s9] =	ssyncset.done $0x0  }
0x75: {  	s23 =	simm.s32 $0xDC00;
	[sflag:s9] =	ssyncadd.s32 $0xFFFFC000  }
0x76: {  	[hbm4b:s17+s4] =	stream.linear.scatter [tilespmem:s23], [sflag:$0xA], $0x4000, $0x38;
	[tilespmem:$0x19C00] =	vst v63  }
0x77: {  	_ =	swait.ge [sflag:s10], $0x4000  }
0x78: {  	[sflag:s10] =	ssyncset.done $0x0  }
0x79: {  	s22 =	sadd.s32 $0x380, s24;
	[sflag:s10] =	ssyncadd.s32 $0xFFFFC000  }
0x7a: {  	[tilespmem:s31], [sflag:$0x2] =	stream.indirect.gather [hbm4b:s2+s26], $0x80, s22, s26, $0xb8;
	[tilespmem:$0x19C00] =	vst v63  }
0x7b: {  	_ =	swait.ge [sflag:s11], $0x4000  }
0x7c: {  	[sflag:s11] =	ssyncset.done $0x0  }
0x7d: {  	s22 =	simm.s32 $0x11C00;
	[sflag:s11] =	ssyncadd.s32 $0xFFFFC000  }
0x7e: {  	[hbm4b:s20+s4] =	stream.linear.scatter [tilespmem:s22], [sflag:$0xB], $0x4000, $0x38;
	[tilespmem:$0x19C00] =	vst v63  }
0x7f: {  	_ =	swait.ge [sflag:s12], $0x4000  }
0x80: {  	[sflag:s12] =	ssyncset.done $0x0  }
0x81: {  	s3 =	sadd.s32 $0x400, s24;
	[sflag:s12] =	ssyncadd.s32 $0xFFFFC000  }
0x82: {  	[tilespmem:s30], [sflag:$0x3] =	stream.indirect.gather [hbm4b:s2+s26], $0x80, s3, s26, $0xb8;
	[tilespmem:$0x19C00] =	vst v63  }
0x83: {  	_ =	swait.ge [sflag:s5], $0x4000  }
0x84: {  	[sflag:s5] =	ssyncset.done $0x0  }
0x85: {  	[sflag:s5] =	ssyncadd.s32 $0xFFFFC000  }
0x86: {  	[hbm4b:s19+s4] =	stream.linear.scatter [tilespmem:s28], [sflag:$0xC], $0x4000, $0x38;
	[tilespmem:$0x19C00] =	vst v63  }
0x87: {  	_ =	swait.ge [sflag:s13], $0x4000  }
0x88: {  	[sflag:s13] =	ssyncset.done $0x0  }
0x89: {  	s3 =	sadd.s32 $0x480, s24;
	[sflag:s13] =	ssyncadd.s32 $0xFFFFC000  }
0x8a: {  	[tilespmem:s23], [sflag:$0x4] =	stream.indirect.gather [hbm4b:s2+s26], $0x80, s3, s26, $0xb8;
	[tilespmem:$0x19C00] =	vst v63  }
0x8b: {  	s23 =	simm.s32 $0x1  }
0x8c: {  	_ =	swait.ge [sflag:s23], $0x4000  }
0x8d: {  	[sflag:s23] =	ssyncset.done $0x0  }
0x8e: {  	[sflag:s23] =	ssyncadd.s32 $0xFFFFC000  }
0x8f: {  	s3 =	sshrl.u32 s18, $0x3;
	s23 =	rddreg [dreg:$0x2]  }
0x90: {  	s3 =	sadd.s32 s23, s3  }
0x91: {  	[hbm4b:s3+s4] =	stream.linear.scatter [tilespmem:s29], [sflag:$0x7], $0x4000, $0x38;
	[tilespmem:$0x19C00] =	vst v63  }
0x92: {  	_ =	swait.ge [sflag:s14], $0x4000  }
0x93: {  	[sflag:s14] =	ssyncset.done $0x0  }
0x94: {  	s3 =	sadd.s32 $0x500, s24;
	[sflag:s14] =	ssyncadd.s32 $0xFFFFC000  }
0x95: {  	[tilespmem:s22], [sflag:$0x5] =	stream.indirect.gather [hbm4b:s2+s26], $0x80, s3, s26, $0xb8;
	[tilespmem:$0x19C00] =	vst v63  }
0x96: {  	_ =	swait.ge [sflag:s0], $0x4000  }
0x97: {  	p0 =	sne.s32 s6, $0x4800;
	[sflag:s0] =	ssyncset.done $0x0  }
0x98: {  	s6 =	sadd.s32 $0xC00, s6;
	s1 =	simm.s32 $0x9C00;
	[sflag:s0] =	ssyncadd.s32 $0xFFFFC000  }
0x99: {  	[hbm4b:s25+s4] =	stream.linear.scatter [tilespmem:s31], [sflag:$0x8], $0x4000, $0x38;
	[tilespmem:$0x19C00] =	vst v63  }
0x9a: {  	s21 =	smov.u32 s16;
	s16 =	sadd.s32 $0x60000, s16;
	_ =	swait.ge [sflag:s15], $0x4000  }
0x9b: {  	s17 =	sadd.s32 $0x60000, s17;
	s20 =	sadd.s32 $0x60000, s20;
	[sflag:s15] =	ssyncset.done $0x0  }
.Ltmp0:
0x9c: {  	s24 =	sadd.s32 $0x580, s24;
	[sflag:s15] =	ssyncadd.s32 $0xFFFFC000;
	(pc) =	sbr.rel @p0 .LBB2_2-.Ltmp0, $4  }
0x9d: {  	[tilespmem:s28], [sflag:$0x6] =	stream.indirect.gather [hbm4b:s2+s26], $0x80, s24, s26, $0xb8;
	[tilespmem:$0x19C00] =	vst v63  }
0x9e: {  	s30 =	simm.s32 $0xDC00;
	s19 =	sadd.s32 $0x60000, s19;
	_ =	swait.ge [sflag:s7], $0x4000  }
0x9f: {  	s18 =	sadd.s32 $0x300000, s18;
	s23 =	simm.s32 $0x11C00;
	[sflag:s7] =	ssyncset.done $0x0  }
0xa0: {  	s22 =	simm.s32 $0x15C00;
	s25 =	sadd.s32 $0x60000, s25;
	[sflag:s7] =	ssyncadd.s32 $0xFFFFC000  }
0xa1: {  	[hbm4b:s21+s4] =	stream.linear.scatter [tilespmem:s1], [sflag:$0x9], $0x4000, $0x38;
	[tilespmem:$0x19C00] =	vst v63  }
0xa2: {  	_ =	swait.ge [sflag:s8], $0x4000  }
0xa3: {  	[sflag:s8] =	ssyncset.done $0x0  }
0xa4: {  	s17 =	simm.s32 $0x1800;
	s6 =	simm.s32 $0x1C00;
	[sflag:s8] =	ssyncadd.s32 $0xFFFFC000  }
0xa5: {  	[tilespmem:s6], [sflag:$0x1] =	stream.indirect.gather [hbm4b:s2+s26], $0x80, s17, s26, $0xb8;
	[tilespmem:$0x19C00] =	vst v63  }
0xa6: {  	_ =	swait.ge [sflag:s9], $0x4000  }
0xa7: {  	[sflag:s9] =	ssyncset.done $0x0  }
0xa8: {  	s3 =	rddreg [dreg:$0x9];
	[sflag:s9] =	ssyncadd.s32 $0xFFFFC000  }
0xa9: {  	[hbm4b:s3+s4] =	stream.linear.scatter [tilespmem:s30], [sflag:$0xA], $0x4000, $0x38;
	[tilespmem:$0x19C00] =	vst v63  }
0xaa: {  	_ =	swait.ge [sflag:s10], $0x4000  }
0xab: {  	[sflag:s10] =	ssyncset.done $0x0  }
0xac: {  	s16 =	simm.s32 $0x5C00;
	s19 =	simm.s32 $0x1880;
	[sflag:s10] =	ssyncadd.s32 $0xFFFFC000  }
0xad: {  	[tilespmem:s16], [sflag:$0x2] =	stream.indirect.gather [hbm4b:s2+s26], $0x80, s19, s26, $0xb8;
	[tilespmem:$0x19C00] =	vst v63  }
0xae: {  	_ =	swait.ge [sflag:s11], $0x4000  }
0xaf: {  	[sflag:s11] =	ssyncset.done $0x0  }
0xb0: {  	s20 =	rddreg [dreg:$0xa];
	[sflag:s11] =	ssyncadd.s32 $0xFFFFC000  }
0xb1: {  	[hbm4b:s20+s4] =	stream.linear.scatter [tilespmem:s23], [sflag:$0xB], $0x4000, $0x38;
	[tilespmem:$0x19C00] =	vst v63  }
0xb2: {  	_ =	swait.ge [sflag:s5], $0x4000  }
0xb3: {  	[sflag:s5] =	ssyncset.done $0x0  }
0xb4: {  	s21 =	rddreg [dreg:$0xb];
	[sflag:s5] =	ssyncadd.s32 $0xFFFFC000  }
0xb5: {  	[hbm4b:s21+s4] =	stream.linear.scatter [tilespmem:s22], [sflag:$0xC], $0x4000, $0x38;
	[tilespmem:$0x19C00] =	vst v63  }
0xb6: {  	s22 =	simm.s32 $0x1  }
0xb7: {  	_ =	swait.ge [sflag:s22], $0x4000  }
0xb8: {  	[sflag:s22] =	ssyncset.done $0x0  }
0xb9: {  	s23 =	rddreg [dreg:$0xc];
	[sflag:s22] =	ssyncadd.s32 $0xFFFFC000  }
0xba: {  	[hbm4b:s23+s4] =	stream.linear.scatter [tilespmem:s6], [sflag:$0x7], $0x4000, $0x38;
	[tilespmem:$0x19C00] =	vst v63  }
0xbb: {  	_ =	swait.ge [sflag:s0], $0x4000  }
0xbc: {  	[sflag:s0] =	ssyncset.done $0x0  }
0xbd: {  	s24 =	rddreg [dreg:$0xd];
	[sflag:s0] =	ssyncadd.s32 $0xFFFFC000  }
0xbe: {  	[hbm4b:s24+s4] =	stream.linear.scatter [tilespmem:s16], [sflag:$0x8], $0x4000, $0x38;
	[tilespmem:$0x19C00] =	vst v63  }
0xbf: {  	_ =	swait.ge [sflag:s8], $0x4000  }
0xc0: {  	[sflag:s8] =	ssyncset.done $0x0  }
0xc1: {  	[sflag:s8] =	ssyncadd.s32 $0xFFFFC000  }
0xc2: {  	_ =	swait.ge [sflag:s10], $0x4000  }
0xc3: {  	[sflag:s10] =	ssyncset.done $0x0  }
0xc4: {  	[sflag:s10] =	ssyncadd.s32 $0xFFFFC000  }
0xc5: {  	_ =	swait.ge [sflag:s12], $0x4000  }
0xc6: {  	[sflag:s12] =	ssyncset.done $0x0  }
0xc7: {  	[sflag:s12] =	ssyncadd.s32 $0xFFFFC000  }
0xc8: {  	_ =	swait.ge [sflag:s13], $0x4000  }
0xc9: {  	[sflag:s13] =	ssyncset.done $0x0  }
0xca: {  	[sflag:s13] =	ssyncadd.s32 $0xFFFFC000  }
0xcb: {  	_ =	swait.ge [sflag:s14], $0x4000  }
0xcc: {  	[sflag:s14] =	ssyncset.done $0x0  }
0xcd: {  	[sflag:s14] =	ssyncadd.s32 $0xFFFFC000  }
0xce: {  	_ =	swait.ge [sflag:s15], $0x4000  }
0xcf: {  	s25 =	rddreg [dreg:$0x15]  }
0xd0: {  	s30 =	rddreg [dreg:$0xe];
	s1 =	sadd.s32 $0x1, s25  }
0xd1: {  	p0 =	sne.s32 s1, s30  }
.Ltmp1:
0xd2: {  	_ = 	snop;
	(pc) =	sbr.rel @p0 .LBB2_1-.Ltmp1, $4  }
0xd3: {  	_ = 	snop  }
0xd4: {  	[sflag:s15] =	ssyncset.done $0x0  }
0xd5: {  	[sflag:s15] =	ssyncadd.s32 $0xFFFFC000  }
0xd6: {  	s22 =	rddreg [dreg:$0x2]  }
0xd7: {  	_ =	sfence.sel $0x180000  }
0xd8: {  	[bflag:$0x0] =	sbarrier.arrive $0xFFFF  }
0xd9: {  	_ =	strace $0x90000047  }
0xda: {  	s0 =	stileid.u32;
	[bflag:$0x2] =	sbarrier.arrive $0xFFFF  }
0xdb: {  	p0 =	sne.s32 s0, $0x0;
	s0 =	rddreg [dreg:$0x3]  }
0xdc: {  	s0 =	sadd.s32 @!p0 $0x100000, s0  }
0xdd: {  	[sflag:s0] =	ssyncadd.tile.s32 @!p0 $0x1;
	_ =	shalt  }
.Lfunc_end2:
_tile_overlayer_lowered:
.L_overlay_start_2:
0xde: {  	(tag) =	ssettag $0x2  }
0xdf: {  	s0 =	rddreg [dreg:$0x0];
	s2 =	stileid.u32  }
0xe0: {  	s1 =	rddreg [dreg:$0x1];
	p0 =	sne.s32 s2, $0x0  }
0xe1: {  	s3 =	rddreg [dreg:$0x2];
	[bflag:$0x3] =	sbarrier.arrive $0xFFFF;
	s2 =	simm.s32 @!p0 $0x1C0D  }
0xe2: {  	[timem:s3], [sflag:s2] =	dma.local @!p0 [hbm:s0], s1  }
0xe3: {  	s0 =	simm.s32 @!p0 $0xD  }
0xe4: {  	_ =	swait.ge @!p0 [sflag:s0], s1  }
0xe5: {  	s1 =	ssub.s32 @!p0 $0x0, s1;
	[sflag:s0] =	ssyncset.done @!p0 $0x0  }
0xe6: {  	[sflag:s0] =	ssyncadd.s32 @!p0 s1  }
0xe7: {  	[bflag:$0x3] =	sbarrier.arrive $0xFFFF  }
0xe8: {  	_ =	shalt  }

</sc_bundles>
